<compile_context>
chip_gen: v7x
topology: tpu7x:2x2x1
jax: 0.10.2.dev20260603
libtpu: 0.0.44.dev20260713+nightly
codegen_flags: <defaults>
</compile_context>

<pallas_src>
import dataclasses

import numpy as np

import jax
import jax.numpy as jnp
from jax import lax
from jax.experimental import pallas as pl
from jax.experimental.pallas import tpu as pltpu
from jax.experimental.pallas import tpu_sc as plsc

B = 32
DIM = 96
N = 1024
LTXT = 77
K = 512

_I32_MIN = np.int32(-(2**31))


def _fused_scores_tc_kernel(img_ref, txt_ref, wf_ref, bf_ref,
                            g_ref, be_ref, ws_ref, fused_ref, sw_ref,
                            thr_ref, quota_ref, wacc_ref):
    x = img_ref[0]
    txt = txt_ref[0]
    tmean = jnp.mean(txt, axis=0, keepdims=True)
    tb = jnp.broadcast_to(tmean, (N, DIM))
    z = jnp.zeros((N, 128 - DIM), jnp.float32)
    cat = jnp.concatenate([x, z, tb, z], axis=1)
    fused = jnp.dot(cat, wf_ref[...]) + bf_ref[...]

    mu = jnp.mean(fused, axis=1, keepdims=True)
    d = fused - mu
    var = jnp.mean(d * d, axis=1, keepdims=True)
    normed = d / jnp.sqrt(var + 1e-5) * g_ref[...] + be_ref[...]

    s_col = jnp.dot(normed, ws_ref[...])
    s_row = jnp.reshape(s_col, (1, N))

    si = lax.bitcast_convert_type(s_row, jnp.int32)
    w = jnp.where(si >= 0, si, jnp.bitwise_xor(jnp.bitwise_not(si), _I32_MIN))

    sw_ref[0] = w
    fused_ref[0] = jnp.concatenate([fused, z], axis=1)

    i = pl.program_id(0)
    wacc_ref[pl.ds(i, 1), :] = w

    @pl.when(i == B - 1)
    def _():
        wa = wacc_ref[...]
        cur = jnp.full((B, 1), _I32_MIN, jnp.int32)
        cnt0 = jnp.sum((wa >= 0).astype(jnp.int32), axis=1, keepdims=True)
        cur = jnp.where(cnt0 >= K, jnp.zeros((B, 1), jnp.int32), cur)

        def body(t, cur):
            c = cur + (jnp.int32(1) << (30 - t))
            cnt = jnp.sum((wa >= c).astype(jnp.int32), axis=1, keepdims=True)
            return jnp.where(cnt >= K, c, cur)

        cur = lax.fori_loop(0, 31, body, cur)
        ngt = jnp.sum((wa > cur).astype(jnp.int32), axis=1, keepdims=True)
        thr_ref[...] = jnp.broadcast_to(cur, (B, 16))
        quota_ref[...] = jnp.broadcast_to(K - ngt, (B, 16))


def _select_gather_sc_kernel(sw_hbm, thr_hbm, quota_hbm, fused_hbm,
                             out_hbm, sv, tv, qv, idxv, rows, sem):
    wid = lax.axis_index("s") * 2 + lax.axis_index("c")
    b = wid

    pltpu.sync_copy(sw_hbm.at[b], sv)
    pltpu.sync_copy(thr_hbm.at[b], tv)
    pltpu.sync_copy(quota_hbm.at[b], qv)

    tvec = tv[...]
    qvec = qv[...]

    def chunk(c, carry):
        npos, neq = carry
        v = sv[pl.ds(c * 16, 16)]
        gt = v > tvec
        eq = v == tvec
        eqi = eq.astype(jnp.int32)
        eq_rank = plsc.cumsum(eqi) - eqi + neq
        sel = jnp.logical_or(gt, jnp.logical_and(eq, eq_rank < qvec))
        seli = sel.astype(jnp.int32)
        pos = plsc.cumsum(seli) - 1 + npos
        gidx = lax.iota(jnp.int32, 16) + (c * 16 + b * N)
        plsc.store_scatter(idxv, [pos], gidx, mask=sel)
        return npos + jnp.sum(seli), neq + jnp.sum(eqi)

    lax.fori_loop(0, N // 16, chunk, (jnp.int32(0), jnp.int32(0)))

    cp0 = pltpu.async_copy(
        fused_hbm.at[idxv.at[pl.ds(0, 128)]], rows.at[0], sem)
    cp1 = pltpu.async_copy(
        fused_hbm.at[idxv.at[pl.ds(128, 128)]], rows.at[1], sem)
    cp0.wait()
    pltpu.sync_copy(rows.at[0], out_hbm.at[pl.ds(b * K, 128)])
    cp2 = pltpu.async_copy(
        fused_hbm.at[idxv.at[pl.ds(256, 128)]], rows.at[0], sem)
    cp1.wait()
    pltpu.sync_copy(rows.at[1], out_hbm.at[pl.ds(b * K + 128, 128)])
    cp3 = pltpu.async_copy(
        fused_hbm.at[idxv.at[pl.ds(384, 128)]], rows.at[1], sem)
    cp2.wait()
    pltpu.sync_copy(rows.at[0], out_hbm.at[pl.ds(b * K + 256, 128)])
    cp3.wait()
    pltpu.sync_copy(rows.at[1], out_hbm.at[pl.ds(b * K + 384, 128)])


def kernel(img_tokens, text_tokens, W_fusion, b_fusion, gamma, beta,
           W_score, b_score):
    imgf = jnp.transpose(img_tokens, (0, 2, 3, 1)).reshape(B, N, DIM)
    bf = b_fusion.reshape(1, DIM)
    g_row = gamma.reshape(1, DIM)
    be_row = beta.reshape(1, DIM)
    zw = jnp.zeros((128 - DIM, DIM), jnp.float32)
    wf_pad = jnp.concatenate([W_fusion[:DIM], zw, W_fusion[DIM:], zw], axis=0)

    fused, sw, thr, quota = pl.pallas_call(
        _fused_scores_tc_kernel,
        grid=(B,),
        in_specs=[
            pl.BlockSpec((1, N, DIM), lambda i: (i, 0, 0)),
            pl.BlockSpec((1, LTXT, DIM), lambda i: (i, 0, 0)),
            pl.BlockSpec((256, DIM), lambda i: (0, 0)),
            pl.BlockSpec((1, DIM), lambda i: (0, 0)),
            pl.BlockSpec((1, DIM), lambda i: (0, 0)),
            pl.BlockSpec((1, DIM), lambda i: (0, 0)),
            pl.BlockSpec((DIM, 1), lambda i: (0, 0)),
        ],
        out_specs=[
            pl.BlockSpec((1, N, 128), lambda i: (i, 0, 0)),
            pl.BlockSpec((1, 1, N), lambda i: (i, 0, 0)),
            pl.BlockSpec((B, 16), lambda i: (0, 0)),
            pl.BlockSpec((B, 16), lambda i: (0, 0)),
        ],
        out_shape=[
            jax.ShapeDtypeStruct((B, N, 128), jnp.float32),
            jax.ShapeDtypeStruct((B, 1, N), jnp.int32),
            jax.ShapeDtypeStruct((B, 16), jnp.int32),
            jax.ShapeDtypeStruct((B, 16), jnp.int32),
        ],
        scratch_shapes=[pltpu.VMEM((B, N), jnp.int32)],
    )(imgf, text_tokens, wf_pad, bf, g_row, be_row, W_score)

    out_flat = _run_sc(sw.reshape(B, N), thr, quota, fused.reshape(B * N, 128))
    return out_flat.reshape(B, K, 128)[:, :, :DIM]


def _run_sc(sw2, thr, quota, fused_flat):
    cp = pltpu.CompilerParams()
    if "needs_layout_passes" in pltpu.CompilerParams.__dataclass_fields__:
        cp = dataclasses.replace(cp, needs_layout_passes=False)

    sc_kernel = pl.kernel(
        _select_gather_sc_kernel,
        out_type=jax.ShapeDtypeStruct((B * K, 128), jnp.float32),
        mesh=plsc.VectorSubcoreMesh(core_axis_name="c", subcore_axis_name="s"),
        compiler_params=cp,
        scratch_types=[
            pltpu.VMEM((N,), jnp.int32),
            pltpu.VMEM((16,), jnp.int32),
            pltpu.VMEM((16,), jnp.int32),
            pltpu.VMEM((K,), jnp.int32),
            pltpu.VMEM((2, 128, 128), jnp.float32),
            pltpu.SemaphoreType.DMA,
        ],
    )
    return sc_kernel(sw2, thr, quota, fused_flat)

# --- scband reference (transcript-rebuilt; emitter-appended) ---
"""Pipeline reference for scband-token-selector-8555574854045 (READ-ONLY COPY).

The authoritative reference and input builder live on the scoring server;
editing this copy changes nothing except your own understanding.
"""

import jax, jax.numpy as jnp
import numpy as np

B, DIM, H, W = 32, 96, 32, 32
LTXT = 77
KEEP_RATIO = 0.5


def setup_inputs(seed: int = 0) -> dict:
    key = jax.random.key(seed)
    k1, k2, k3, k4, k5, k6 = jax.random.split(key, 6)
    img_tokens = jax.random.normal(k1, (B, DIM, H, W), dtype=jnp.float32)
    text_tokens = jax.random.normal(k2, (B, LTXT, DIM), dtype=jnp.float32)
    # params: fusion Linear(dim*2 -> dim), LayerNorm(dim), score Linear(dim -> 1)
    W_fusion = jax.random.normal(k3, (DIM * 2, DIM), dtype=jnp.float32) * (1.0 / np.sqrt(DIM * 2))
    b_fusion = jnp.zeros((DIM,), dtype=jnp.float32)
    gamma = jnp.ones((DIM,), dtype=jnp.float32)
    beta = jnp.zeros((DIM,), dtype=jnp.float32)
    W_score = jax.random.normal(k4, (DIM, 1), dtype=jnp.float32) * (1.0 / np.sqrt(DIM))
    b_score = jnp.zeros((1,), dtype=jnp.float32)
    return {
        "img_tokens": img_tokens,
        "text_tokens": text_tokens,
        "W_fusion": W_fusion,
        "b_fusion": b_fusion,
        "gamma": gamma,
        "beta": beta,
        "W_score": W_score,
        "b_score": b_score,
    }


def reference(img_tokens, text_tokens, W_fusion, b_fusion, gamma, beta, W_score, b_score):
    b, dim, h, w = img_tokens.shape
    x = jnp.transpose(img_tokens, (0, 2, 3, 1)).reshape(b, h * w, dim)
    t = jnp.mean(text_tokens, axis=1, keepdims=True)
    t = jnp.broadcast_to(t, (b, h * w, dim))
    fused = jnp.concatenate([x, t], axis=-1)
    fused = fused @ W_fusion + b_fusion
    # LayerNorm (eps=1e-5)
    mu = jnp.mean(fused, axis=-1, keepdims=True)
    var = jnp.mean((fused - mu) ** 2, axis=-1, keepdims=True)
    normed = (fused - mu) / jnp.sqrt(var + 1e-5) * gamma + beta
    scores = (normed @ W_score + b_score)[..., 0]
    scores = jax.nn.softmax(scores, axis=-1)
    num_keep = int((h * w) * KEEP_RATIO)
    _, idx = jax.lax.top_k(scores, num_keep)
    idx = jnp.sort(idx, axis=-1)
    selected = jnp.take_along_axis(fused, idx[..., None], axis=1)
    return selected

if __name__ == "__main__":
    import jax
    _d = setup_inputs()
    print(jax.jit(kernel)(*tuple(_d.values())))

</pallas_src>

<mosaic_0001>
#map = affine_map<(d0, d1) -> (0, 0)>
module attributes {stable_mosaic.version = 14 : i64} {
  func.func @_select_gather_sc_kernel(%arg0: i32, %arg1: i32, %arg2: memref<32x1024xi32, #tpu.memory_space<hbm>>, %arg3: memref<32x16xi32, #tpu.memory_space<hbm>>, %arg4: memref<32x16xi32, #tpu.memory_space<hbm>>, %arg5: memref<32768x128xf32, #tpu.memory_space<hbm>>, %arg6: memref<16384x128xf32, #tpu.memory_space<hbm>>, %arg7: memref<1024xi32, #tpu.memory_space<vmem>>, %arg8: memref<16xi32, #tpu.memory_space<vmem>>, %arg9: memref<16xi32, #tpu.memory_space<vmem>>, %arg10: memref<512xi32, #tpu.memory_space<vmem>>, %arg11: memref<2x128x128xf32, #tpu.memory_space<vmem>>, %arg12: memref<!tpu.dma_semaphore, #tpu.memory_space<semaphore_mem>>) attributes {dimension_semantics = [#tpu.dimension_semantics<core_parallel>, #tpu.dimension_semantics<subcore_parallel>], iteration_bounds = array<i64: 2, 16>, scalar_prefetch = 0 : i64, scratch_operands = 6 : i64, tpu.core_type = #tpu.core_type<sc_vector_subcore>, window_params = [{transform_indices = #map}, {transform_indices = #map}, {transform_indices = #map}, {transform_indices = #map}, {transform_indices = #map}]} {
    %mul3A = arith.constant 2 : i32
    %mul3A_0 = arith.muli %arg1, %mul3A : i32
    %add3A = arith.addi %mul3A_0, %arg0 : i32
    "tpu.region"() ({
      %run_scoped3A_106 = tpu.sem_alloc : memref<!tpu.dma_semaphore, #tpu.memory_space<semaphore_mem>>
      %dma_start3A_107 = arith.constant 0 : i32
      %dma_start3A_108 = tpu.memref_slice %arg2[%add3A, %dma_start3A_107] : memref<32x1024xi32, #tpu.memory_space<hbm>> -> memref<1x1024xi32, #tpu.memory_space<hbm>>
      %dma_start3A_109 = tpu.memref_squeeze %dma_start3A_108 : memref<1x1024xi32, #tpu.memory_space<hbm>> -> memref<1024xi32, #tpu.memory_space<hbm>>
      %dma_start3A_110 = arith.constant 0 : i32
      %dma_start3A_111 = tpu.memref_slice %arg2[%add3A, %dma_start3A_110] : memref<32x1024xi32, #tpu.memory_space<hbm>> -> memref<1x1024xi32, #tpu.memory_space<hbm>>
      %dma_start3A_112 = tpu.memref_squeeze %dma_start3A_111 : memref<1x1024xi32, #tpu.memory_space<hbm>> -> memref<1024xi32, #tpu.memory_space<hbm>>
      tpu.enqueue_dma source(%dma_start3A_112 : memref<1024xi32, #tpu.memory_space<hbm>>) target(%arg7 : memref<1024xi32, #tpu.memory_space<vmem>>) target_semaphore(%run_scoped3A_106 : memref<!tpu.dma_semaphore, #tpu.memory_space<semaphore_mem>>)
      %dma_wait3A_113 = arith.constant 0 : i32
      %dma_wait3A_114 = tpu.memref_slice %arg2[%add3A, %dma_wait3A_113] : memref<32x1024xi32, #tpu.memory_space<hbm>> -> memref<1x1024xi32, #tpu.memory_space<hbm>>
      %dma_wait3A_115 = tpu.memref_squeeze %dma_wait3A_114 : memref<1x1024xi32, #tpu.memory_space<hbm>> -> memref<1024xi32, #tpu.memory_space<hbm>>
      %dma_wait3A_116 = arith.constant 0 : i32
      %dma_wait3A_117 = tpu.memref_slice %arg2[%add3A, %dma_wait3A_116] : memref<32x1024xi32, #tpu.memory_space<hbm>> -> memref<1x1024xi32, #tpu.memory_space<hbm>>
      %dma_wait3A_118 = tpu.memref_squeeze %dma_wait3A_117 : memref<1x1024xi32, #tpu.memory_space<hbm>> -> memref<1024xi32, #tpu.memory_space<hbm>>
      tpu.wait_dma2 semaphore(%run_scoped3A_106 : memref<!tpu.dma_semaphore, #tpu.memory_space<semaphore_mem>>) src(%dma_wait3A_118 : memref<1024xi32, #tpu.memory_space<hbm>>) dst(%arg7 : memref<1024xi32, #tpu.memory_space<vmem>>)
      tpu.yield
    }) : () -> ()
    "tpu.region"() ({
      %run_scoped3A_106 = tpu.sem_alloc : memref<!tpu.dma_semaphore, #tpu.memory_space<semaphore_mem>>
      %dma_start3A_107 = arith.constant 0 : i32
      %dma_start3A_108 = tpu.memref_slice %arg3[%add3A, %dma_start3A_107] : memref<32x16xi32, #tpu.memory_space<hbm>> -> memref<1x16xi32, #tpu.memory_space<hbm>>
      %dma_start3A_109 = tpu.memref_squeeze %dma_start3A_108 : memref<1x16xi32, #tpu.memory_space<hbm>> -> memref<16xi32, #tpu.memory_space<hbm>>
      %dma_start3A_110 = arith.constant 0 : i32
      %dma_start3A_111 = tpu.memref_slice %arg3[%add3A, %dma_start3A_110] : memref<32x16xi32, #tpu.memory_space<hbm>> -> memref<1x16xi32, #tpu.memory_space<hbm>>
      %dma_start3A_112 = tpu.memref_squeeze %dma_start3A_111 : memref<1x16xi32, #tpu.memory_space<hbm>> -> memref<16xi32, #tpu.memory_space<hbm>>
      tpu.enqueue_dma source(%dma_start3A_112 : memref<16xi32, #tpu.memory_space<hbm>>) target(%arg8 : memref<16xi32, #tpu.memory_space<vmem>>) target_semaphore(%run_scoped3A_106 : memref<!tpu.dma_semaphore, #tpu.memory_space<semaphore_mem>>)
      %dma_wait3A_113 = arith.constant 0 : i32
      %dma_wait3A_114 = tpu.memref_slice %arg3[%add3A, %dma_wait3A_113] : memref<32x16xi32, #tpu.memory_space<hbm>> -> memref<1x16xi32, #tpu.memory_space<hbm>>
      %dma_wait3A_115 = tpu.memref_squeeze %dma_wait3A_114 : memref<1x16xi32, #tpu.memory_space<hbm>> -> memref<16xi32, #tpu.memory_space<hbm>>
      %dma_wait3A_116 = arith.constant 0 : i32
      %dma_wait3A_117 = tpu.memref_slice %arg3[%add3A, %dma_wait3A_116] : memref<32x16xi32, #tpu.memory_space<hbm>> -> memref<1x16xi32, #tpu.memory_space<hbm>>
      %dma_wait3A_118 = tpu.memref_squeeze %dma_wait3A_117 : memref<1x16xi32, #tpu.memory_space<hbm>> -> memref<16xi32, #tpu.memory_space<hbm>>
      tpu.wait_dma2 semaphore(%run_scoped3A_106 : memref<!tpu.dma_semaphore, #tpu.memory_space<semaphore_mem>>) src(%dma_wait3A_118 : memref<16xi32, #tpu.memory_space<hbm>>) dst(%arg8 : memref<16xi32, #tpu.memory_space<vmem>>)
      tpu.yield
    }) : () -> ()
    "tpu.region"() ({
      %run_scoped3A_106 = tpu.sem_alloc : memref<!tpu.dma_semaphore, #tpu.memory_space<semaphore_mem>>
      %dma_start3A_107 = arith.constant 0 : i32
      %dma_start3A_108 = tpu.memref_slice %arg4[%add3A, %dma_start3A_107] : memref<32x16xi32, #tpu.memory_space<hbm>> -> memref<1x16xi32, #tpu.memory_space<hbm>>
      %dma_start3A_109 = tpu.memref_squeeze %dma_start3A_108 : memref<1x16xi32, #tpu.memory_space<hbm>> -> memref<16xi32, #tpu.memory_space<hbm>>
      %dma_start3A_110 = arith.constant 0 : i32
      %dma_start3A_111 = tpu.memref_slice %arg4[%add3A, %dma_start3A_110] : memref<32x16xi32, #tpu.memory_space<hbm>> -> memref<1x16xi32, #tpu.memory_space<hbm>>
      %dma_start3A_112 = tpu.memref_squeeze %dma_start3A_111 : memref<1x16xi32, #tpu.memory_space<hbm>> -> memref<16xi32, #tpu.memory_space<hbm>>
      tpu.enqueue_dma source(%dma_start3A_112 : memref<16xi32, #tpu.memory_space<hbm>>) target(%arg9 : memref<16xi32, #tpu.memory_space<vmem>>) target_semaphore(%run_scoped3A_106 : memref<!tpu.dma_semaphore, #tpu.memory_space<semaphore_mem>>)
      %dma_wait3A_113 = arith.constant 0 : i32
      %dma_wait3A_114 = tpu.memref_slice %arg4[%add3A, %dma_wait3A_113] : memref<32x16xi32, #tpu.memory_space<hbm>> -> memref<1x16xi32, #tpu.memory_space<hbm>>
      %dma_wait3A_115 = tpu.memref_squeeze %dma_wait3A_114 : memref<1x16xi32, #tpu.memory_space<hbm>> -> memref<16xi32, #tpu.memory_space<hbm>>
      %dma_wait3A_116 = arith.constant 0 : i32
      %dma_wait3A_117 = tpu.memref_slice %arg4[%add3A, %dma_wait3A_116] : memref<32x16xi32, #tpu.memory_space<hbm>> -> memref<1x16xi32, #tpu.memory_space<hbm>>
      %dma_wait3A_118 = tpu.memref_squeeze %dma_wait3A_117 : memref<1x16xi32, #tpu.memory_space<hbm>> -> memref<16xi32, #tpu.memory_space<hbm>>
      tpu.wait_dma2 semaphore(%run_scoped3A_106 : memref<!tpu.dma_semaphore, #tpu.memory_space<semaphore_mem>>) src(%dma_wait3A_118 : memref<16xi32, #tpu.memory_space<hbm>>) dst(%arg9 : memref<16xi32, #tpu.memory_space<vmem>>)
      tpu.yield
    }) : () -> ()
    %get3A = arith.constant 0 : index
    %get3A_1 = tpu.vector_load %arg8[%get3A] {strides = array<i32>} : memref<16xi32, #tpu.memory_space<vmem>>, vector<16xi32>,
    %get3A_2 = arith.constant 0 : index
    %get3A_3 = tpu.vector_load %arg9[%get3A_2] {strides = array<i32>} : memref<16xi32, #tpu.memory_space<vmem>>, vector<16xi32>,
    %scan3A = arith.constant 0 : i32
    %scan3A_4 = arith.constant 0 : i32
    %scan3A_5 = arith.constant 0 : i32
    %scan3A_6 = arith.constant 64 : i32
    %scan3A_7 = arith.addi %scan3A_5, %scan3A_6 : i32
    %scan3A_8 = arith.constant 1 : i32
    %scan3A_9:2 = scf.for %scan3A_106 = %scan3A_5 to %scan3A_7 step %scan3A_8 iter_args(%scan3A_107 = %scan3A, %scan3A_108 = %scan3A_4) -> (i32, i32)  : i32 {
      %mul3A_109 = arith.constant 16 : i32
      %mul3A_110 = arith.muli %scan3A_106, %mul3A_109 : i32
      %get3A_111 = arith.index_cast %mul3A_110 : i32 to index
      %get3A_112 = tpu.vector_load %arg7[%get3A_111] {strides = array<i32>} : memref<1024xi32, #tpu.memory_space<vmem>>, vector<16xi32>,
      %gt3A = arith.cmpi sgt, %get3A_112, %get3A_1 : vector<16xi32>
      %eq3A = arith.cmpi eq, %get3A_112, %get3A_1 : vector<16xi32>
      %convert_element_type3A = arith.extui %eq3A : vector<16xi1> to vector<16xi32>
      %broadcast_in_dim3A = arith.constant true
      %broadcast_in_dim3A_113 = vector.broadcast %broadcast_in_dim3A : i1 to vector<16xi1>
      %masked_cumsum3A = tpu.scan <sum>, %convert_element_type3A masked %broadcast_in_dim3A_113 : vector<16xi32>, vector<16xi1> -> vector<16xi32>
      %sub3A = arith.subi %masked_cumsum3A, %convert_element_type3A : vector<16xi32>
      %add3A_114 = vector.broadcast %scan3A_108 : i32 to vector<16xi32>
      %add3A_115 = arith.addi %sub3A, %add3A_114 : vector<16xi32>
      %lt3A = arith.cmpi slt, %add3A_115, %get3A_3 : vector<16xi32>
      %and3A = arith.andi %eq3A, %lt3A : vector<16xi1>
      %or3A = arith.ori %gt3A, %and3A : vector<16xi1>
      %convert_element_type3A_116 = arith.extui %or3A : vector<16xi1> to vector<16xi32>
      %broadcast_in_dim3A_117 = arith.constant true
      %broadcast_in_dim3A_118 = vector.broadcast %broadcast_in_dim3A_117 : i1 to vector<16xi1>
      %masked_cumsum3A_119 = tpu.scan <sum>, %convert_element_type3A_116 masked %broadcast_in_dim3A_118 : vector<16xi32>, vector<16xi1> -> vector<16xi32>
      %sub3A_120 = arith.constant 1 : i32
      %sub3A_121 = vector.broadcast %sub3A_120 : i32 to vector<16xi32>
      %sub3A_122 = arith.subi %masked_cumsum3A_119, %sub3A_121 : vector<16xi32>
      %add3A_123 = vector.broadcast %scan3A_107 : i32 to vector<16xi32>
      %add3A_124 = arith.addi %sub3A_122, %add3A_123 : vector<16xi32>
      %iota3A = tpu.iota {dimensions = array<i32: 0>} : vector<16xi32>
      %mul3A_125 = arith.constant 16 : i32
      %mul3A_126 = arith.muli %scan3A_106, %mul3A_125 : i32
      %mul3A_127 = arith.constant 1024 : i32
      %mul3A_128 = arith.muli %add3A, %mul3A_127 : i32
      %add3A_129 = arith.addi %mul3A_126, %mul3A_128 : i32
      %add3A_130 = vector.broadcast %add3A_129 : i32 to vector<16xi32>
      %add3A_131 = arith.addi %iota3A, %add3A_130 : vector<16xi32>
      tpu.vector_store_idx %arg10[%add3A_124], %add3A_131 masked %or3A : memref<512xi32, #tpu.memory_space<vmem>>[vector<16xi32>], vector<16xi32>, vector<16xi1>
      %reduce_sum3A = arith.constant true
      %reduce_sum3A_132 = vector.broadcast %reduce_sum3A : i1 to vector<16xi1>
      %reduce_sum3A_133 = tpu.scan <sum>, %convert_element_type3A_116 masked %reduce_sum3A_132 : vector<16xi32>, vector<16xi1> -> vector<16xi32>
      %reduce_sum3A_134 = vector.extract %reduce_sum3A_133[15] : i32 from vector<16xi32>
      %add3A_135 = arith.addi %scan3A_107, %reduce_sum3A_134 : i32
      %reduce_sum3A_136 = arith.constant true
      %reduce_sum3A_137 = vector.broadcast %reduce_sum3A_136 : i1 to vector<16xi1>
      %reduce_sum3A_138 = tpu.scan <sum>, %convert_element_type3A masked %reduce_sum3A_137 : vector<16xi32>, vector<16xi1> -> vector<16xi32>
      %reduce_sum3A_139 = vector.extract %reduce_sum3A_138[15] : i32 from vector<16xi32>
      %add3A_140 = arith.addi %scan3A_108, %reduce_sum3A_139 : i32
      scf.yield %add3A_135, %add3A_140 : i32, i32
    }
    %scan3A_10 = arith.constant 64 : i32
    %dma_start3A = arith.constant 0 : i32
    %dma_start3A_11 = arith.constant 0 : i32
    %dma_start3A_12 = arith.constant 0 : i32
    %dma_start3A_13 = tpu.memref_slice %arg11[%dma_start3A, %dma_start3A_11, %dma_start3A_12] : memref<2x128x128xf32, #tpu.memory_space<vmem>> -> memref<1x128x128xf32, #tpu.memory_space<vmem>>
    %dma_start3A_14 = tpu.memref_squeeze %dma_start3A_13 : memref<1x128x128xf32, #tpu.memory_space<vmem>> -> memref<128x128xf32, #tpu.memory_space<vmem>>
    %dma_start3A_15 = arith.constant 0 : i32
    %dma_start3A_16 = tpu.memref_slice %arg10[%dma_start3A_15] : memref<512xi32, #tpu.memory_space<vmem>> -> memref<128xi32, #tpu.memory_space<vmem>>
    %dma_start3A_17 = arith.constant 0 : i32
    %dma_start3A_18 = arith.constant 0 : i32
    %dma_start3A_19 = tpu.memref_slice %arg5[%dma_start3A_17, %dma_start3A_18] : memref<32768x128xf32, #tpu.memory_space<hbm>> -> memref<32768x128xf32, #tpu.memory_space<hbm>>
    tpu.enqueue_indirect_dma source(%dma_start3A_19 : memref<32768x128xf32, #tpu.memory_space<hbm>>) target(%dma_start3A_14 : memref<128x128xf32, #tpu.memory_space<vmem>>) offsets(%dma_start3A_16 : memref<128xi32, #tpu.memory_space<vmem>>) semaphore(%arg12 : memref<!tpu.dma_semaphore, #tpu.memory_space<semaphore_mem>>)
    %dma_start3A_20 = arith.constant 1 : i32
    %dma_start3A_21 = arith.constant 0 : i32
    %dma_start3A_22 = arith.constant 0 : i32
    %dma_start3A_23 = tpu.memref_slice %arg11[%dma_start3A_20, %dma_start3A_21, %dma_start3A_22] : memref<2x128x128xf32, #tpu.memory_space<vmem>> -> memref<1x128x128xf32, #tpu.memory_space<vmem>>
    %dma_start3A_24 = tpu.memref_squeeze %dma_start3A_23 : memref<1x128x128xf32, #tpu.memory_space<vmem>> -> memref<128x128xf32, #tpu.memory_space<vmem>>
    %dma_start3A_25 = arith.constant 128 : i32
    %dma_start3A_26 = tpu.memref_slice %arg10[%dma_start3A_25] : memref<512xi32, #tpu.memory_space<vmem>> -> memref<128xi32, #tpu.memory_space<vmem>>
    %dma_start3A_27 = arith.constant 0 : i32
    %dma_start3A_28 = arith.constant 0 : i32
    %dma_start3A_29 = tpu.memref_slice %arg5[%dma_start3A_27, %dma_start3A_28] : memref<32768x128xf32, #tpu.memory_space<hbm>> -> memref<32768x128xf32, #tpu.memory_space<hbm>>
    tpu.enqueue_indirect_dma source(%dma_start3A_29 : memref<32768x128xf32, #tpu.memory_space<hbm>>) target(%dma_start3A_24 : memref<128x128xf32, #tpu.memory_space<vmem>>) offsets(%dma_start3A_26 : memref<128xi32, #tpu.memory_space<vmem>>) semaphore(%arg12 : memref<!tpu.dma_semaphore, #tpu.memory_space<semaphore_mem>>)
    %dma_wait3A = arith.constant 0 : i32
    %dma_wait3A_30 = arith.constant 0 : i32
    %dma_wait3A_31 = arith.constant 0 : i32
    %dma_wait3A_32 = tpu.memref_slice %arg11[%dma_wait3A, %dma_wait3A_30, %dma_wait3A_31] : memref<2x128x128xf32, #tpu.memory_space<vmem>> -> memref<1x128x128xf32, #tpu.memory_space<vmem>>
    %dma_wait3A_33 = tpu.memref_squeeze %dma_wait3A_32 : memref<1x128x128xf32, #tpu.memory_space<vmem>> -> memref<128x128xf32, #tpu.memory_space<vmem>>
    %dma_wait3A_34 = arith.constant 0 : i32
    %dma_wait3A_35 = tpu.memref_slice %arg10[%dma_wait3A_34] : memref<512xi32, #tpu.memory_space<vmem>> -> memref<128xi32, #tpu.memory_space<vmem>>
    %dma_wait3A_36 = arith.constant 0 : i32
    %dma_wait3A_37 = arith.constant 0 : i32
    %dma_wait3A_38 = tpu.memref_slice %arg5[%dma_wait3A_36, %dma_wait3A_37] : memref<32768x128xf32, #tpu.memory_space<hbm>> -> memref<32768x128xf32, #tpu.memory_space<hbm>>
    tpu.wait_indirect_dma semaphore(%arg12 : memref<!tpu.dma_semaphore, #tpu.memory_space<semaphore_mem>>) src(%dma_wait3A_38 : memref<32768x128xf32, #tpu.memory_space<hbm>>) dst(%dma_wait3A_33 : memref<128x128xf32, #tpu.memory_space<vmem>>)
    %mul3A_39 = arith.constant 512 : i32
    %mul3A_40 = arith.muli %add3A, %mul3A_39 : i32
    %run_scoped3A = arith.constant 0 : i32
    "tpu.region"() ({
      %run_scoped3A_106 = tpu.sem_alloc : memref<!tpu.dma_semaphore, #tpu.memory_space<semaphore_mem>>
      %dma_start3A_107 = arith.constant 0 : i32
      %dma_start3A_108 = arith.constant 0 : i32
      %dma_start3A_109 = tpu.memref_slice %arg11[%run_scoped3A, %dma_start3A_107, %dma_start3A_108] : memref<2x128x128xf32, #tpu.memory_space<vmem>> -> memref<1x128x128xf32, #tpu.memory_space<vmem>>
      %dma_start3A_110 = tpu.memref_squeeze %dma_start3A_109 : memref<1x128x128xf32, #tpu.memory_space<vmem>> -> memref<128x128xf32, #tpu.memory_space<vmem>>
      %dma_start3A_111 = arith.constant 0 : i32
      %dma_start3A_112 = tpu.memref_slice %arg6[%mul3A_40, %dma_start3A_111] : memref<16384x128xf32, #tpu.memory_space<hbm>> -> memref<128x128xf32, #tpu.memory_space<hbm>>
      %dma_start3A_113 = arith.constant 0 : i32
      %dma_start3A_114 = tpu.memref_slice %arg6[%mul3A_40, %dma_start3A_113] : memref<16384x128xf32, #tpu.memory_space<hbm>> -> memref<128x128xf32, #tpu.memory_space<hbm>>
      %dma_start3A_115 = arith.constant 0 : i32
      %dma_start3A_116 = arith.constant 0 : i32
      %dma_start3A_117 = tpu.memref_slice %arg11[%run_scoped3A, %dma_start3A_115, %dma_start3A_116] : memref<2x128x128xf32, #tpu.memory_space<vmem>> -> memref<1x128x128xf32, #tpu.memory_space<vmem>>
      %dma_start3A_118 = tpu.memref_squeeze %dma_start3A_117 : memref<1x128x128xf32, #tpu.memory_space<vmem>> -> memref<128x128xf32, #tpu.memory_space<vmem>>
      tpu.enqueue_dma source(%dma_start3A_118 : memref<128x128xf32, #tpu.memory_space<vmem>>) target(%dma_start3A_114 : memref<128x128xf32, #tpu.memory_space<hbm>>) target_semaphore(%run_scoped3A_106 : memref<!tpu.dma_semaphore, #tpu.memory_space<semaphore_mem>>)
      %dma_wait3A_119 = arith.constant 0 : i32
      %dma_wait3A_120 = arith.constant 0 : i32
      %dma_wait3A_121 = tpu.memref_slice %arg11[%run_scoped3A, %dma_wait3A_119, %dma_wait3A_120] : memref<2x128x128xf32, #tpu.memory_space<vmem>> -> memref<1x128x128xf32, #tpu.memory_space<vmem>>
      %dma_wait3A_122 = tpu.memref_squeeze %dma_wait3A_121 : memref<1x128x128xf32, #tpu.memory_space<vmem>> -> memref<128x128xf32, #tpu.memory_space<vmem>>
      %dma_wait3A_123 = arith.constant 0 : i32
      %dma_wait3A_124 = tpu.memref_slice %arg6[%mul3A_40, %dma_wait3A_123] : memref<16384x128xf32, #tpu.memory_space<hbm>> -> memref<128x128xf32, #tpu.memory_space<hbm>>
      %dma_wait3A_125 = arith.constant 0 : i32
      %dma_wait3A_126 = tpu.memref_slice %arg6[%mul3A_40, %dma_wait3A_125] : memref<16384x128xf32, #tpu.memory_space<hbm>> -> memref<128x128xf32, #tpu.memory_space<hbm>>
      %dma_wait3A_127 = arith.constant 0 : i32
      %dma_wait3A_128 = arith.constant 0 : i32
      %dma_wait3A_129 = tpu.memref_slice %arg11[%run_scoped3A, %dma_wait3A_127, %dma_wait3A_128] : memref<2x128x128xf32, #tpu.memory_space<vmem>> -> memref<1x128x128xf32, #tpu.memory_space<vmem>>
      %dma_wait3A_130 = tpu.memref_squeeze %dma_wait3A_129 : memref<1x128x128xf32, #tpu.memory_space<vmem>> -> memref<128x128xf32, #tpu.memory_space<vmem>>
      tpu.wait_dma2 semaphore(%run_scoped3A_106 : memref<!tpu.dma_semaphore, #tpu.memory_space<semaphore_mem>>) src(%dma_wait3A_130 : memref<128x128xf32, #tpu.memory_space<vmem>>) dst(%dma_wait3A_126 : memref<128x128xf32, #tpu.memory_space<hbm>>)
      tpu.yield
    }) : () -> ()
    %dma_start3A_41 = arith.constant 0 : i32
    %dma_start3A_42 = arith.constant 0 : i32
    %dma_start3A_43 = arith.constant 0 : i32
    %dma_start3A_44 = tpu.memref_slice %arg11[%dma_start3A_41, %dma_start3A_42, %dma_start3A_43] : memref<2x128x128xf32, #tpu.memory_space<vmem>> -> memref<1x128x128xf32, #tpu.memory_space<vmem>>
    %dma_start3A_45 = tpu.memref_squeeze %dma_start3A_44 : memref<1x128x128xf32, #tpu.memory_space<vmem>> -> memref<128x128xf32, #tpu.memory_space<vmem>>
    %dma_start3A_46 = arith.constant 256 : i32
    %dma_start3A_47 = tpu.memref_slice %arg10[%dma_start3A_46] : memref<512xi32, #tpu.memory_space<vmem>> -> memref<128xi32, #tpu.memory_space<vmem>>
    %dma_start3A_48 = arith.constant 0 : i32
    %dma_start3A_49 = arith.constant 0 : i32
    %dma_start3A_50 = tpu.memref_slice %arg5[%dma_start3A_48, %dma_start3A_49] : memref<32768x128xf32, #tpu.memory_space<hbm>> -> memref<32768x128xf32, #tpu.memory_space<hbm>>
    tpu.enqueue_indirect_dma source(%dma_start3A_50 : memref<32768x128xf32, #tpu.memory_space<hbm>>) target(%dma_start3A_45 : memref<128x128xf32, #tpu.memory_space<vmem>>) offsets(%dma_start3A_47 : memref<128xi32, #tpu.memory_space<vmem>>) semaphore(%arg12 : memref<!tpu.dma_semaphore, #tpu.memory_space<semaphore_mem>>)
    %dma_wait3A_51 = arith.constant 1 : i32
    %dma_wait3A_52 = arith.constant 0 : i32
    %dma_wait3A_53 = arith.constant 0 : i32
    %dma_wait3A_54 = tpu.memref_slice %arg11[%dma_wait3A_51, %dma_wait3A_52, %dma_wait3A_53] : memref<2x128x128xf32, #tpu.memory_space<vmem>> -> memref<1x128x128xf32, #tpu.memory_space<vmem>>
    %dma_wait3A_55 = tpu.memref_squeeze %dma_wait3A_54 : memref<1x128x128xf32, #tpu.memory_space<vmem>> -> memref<128x128xf32, #tpu.memory_space<vmem>>
    %dma_wait3A_56 = arith.constant 128 : i32
    %dma_wait3A_57 = tpu.memref_slice %arg10[%dma_wait3A_56] : memref<512xi32, #tpu.memory_space<vmem>> -> memref<128xi32, #tpu.memory_space<vmem>>
    %dma_wait3A_58 = arith.constant 0 : i32
    %dma_wait3A_59 = arith.constant 0 : i32
    %dma_wait3A_60 = tpu.memref_slice %arg5[%dma_wait3A_58, %dma_wait3A_59] : memref<32768x128xf32, #tpu.memory_space<hbm>> -> memref<32768x128xf32, #tpu.memory_space<hbm>>
    tpu.wait_indirect_dma semaphore(%arg12 : memref<!tpu.dma_semaphore, #tpu.memory_space<semaphore_mem>>) src(%dma_wait3A_60 : memref<32768x128xf32, #tpu.memory_space<hbm>>) dst(%dma_wait3A_55 : memref<128x128xf32, #tpu.memory_space<vmem>>)
    %mul3A_61 = arith.constant 512 : i32
    %mul3A_62 = arith.muli %add3A, %mul3A_61 : i32
    %add3A_63 = arith.constant 128 : i32
    %add3A_64 = arith.addi %mul3A_62, %add3A_63 : i32
    %run_scoped3A_65 = arith.constant 1 : i32
    "tpu.region"() ({
      %run_scoped3A_106 = tpu.sem_alloc : memref<!tpu.dma_semaphore, #tpu.memory_space<semaphore_mem>>
      %dma_start3A_107 = arith.constant 0 : i32
      %dma_start3A_108 = arith.constant 0 : i32
      %dma_start3A_109 = tpu.memref_slice %arg11[%run_scoped3A_65, %dma_start3A_107, %dma_start3A_108] : memref<2x128x128xf32, #tpu.memory_space<vmem>> -> memref<1x128x128xf32, #tpu.memory_space<vmem>>
      %dma_start3A_110 = tpu.memref_squeeze %dma_start3A_109 : memref<1x128x128xf32, #tpu.memory_space<vmem>> -> memref<128x128xf32, #tpu.memory_space<vmem>>
      %dma_start3A_111 = arith.constant 0 : i32
      %dma_start3A_112 = tpu.memref_slice %arg6[%add3A_64, %dma_start3A_111] : memref<16384x128xf32, #tpu.memory_space<hbm>> -> memref<128x128xf32, #tpu.memory_space<hbm>>
      %dma_start3A_113 = arith.constant 0 : i32
      %dma_start3A_114 = tpu.memref_slice %arg6[%add3A_64, %dma_start3A_113] : memref<16384x128xf32, #tpu.memory_space<hbm>> -> memref<128x128xf32, #tpu.memory_space<hbm>>
      %dma_start3A_115 = arith.constant 0 : i32
      %dma_start3A_116 = arith.constant 0 : i32
      %dma_start3A_117 = tpu.memref_slice %arg11[%run_scoped3A_65, %dma_start3A_115, %dma_start3A_116] : memref<2x128x128xf32, #tpu.memory_space<vmem>> -> memref<1x128x128xf32, #tpu.memory_space<vmem>>
      %dma_start3A_118 = tpu.memref_squeeze %dma_start3A_117 : memref<1x128x128xf32, #tpu.memory_space<vmem>> -> memref<128x128xf32, #tpu.memory_space<vmem>>
      tpu.enqueue_dma source(%dma_start3A_118 : memref<128x128xf32, #tpu.memory_space<vmem>>) target(%dma_start3A_114 : memref<128x128xf32, #tpu.memory_space<hbm>>) target_semaphore(%run_scoped3A_106 : memref<!tpu.dma_semaphore, #tpu.memory_space<semaphore_mem>>)
      %dma_wait3A_119 = arith.constant 0 : i32
      %dma_wait3A_120 = arith.constant 0 : i32
      %dma_wait3A_121 = tpu.memref_slice %arg11[%run_scoped3A_65, %dma_wait3A_119, %dma_wait3A_120] : memref<2x128x128xf32, #tpu.memory_space<vmem>> -> memref<1x128x128xf32, #tpu.memory_space<vmem>>
      %dma_wait3A_122 = tpu.memref_squeeze %dma_wait3A_121 : memref<1x128x128xf32, #tpu.memory_space<vmem>> -> memref<128x128xf32, #tpu.memory_space<vmem>>
      %dma_wait3A_123 = arith.constant 0 : i32
      %dma_wait3A_124 = tpu.memref_slice %arg6[%add3A_64, %dma_wait3A_123] : memref<16384x128xf32, #tpu.memory_space<hbm>> -> memref<128x128xf32, #tpu.memory_space<hbm>>
      %dma_wait3A_125 = arith.constant 0 : i32
      %dma_wait3A_126 = tpu.memref_slice %arg6[%add3A_64, %dma_wait3A_125] : memref<16384x128xf32, #tpu.memory_space<hbm>> -> memref<128x128xf32, #tpu.memory_space<hbm>>
      %dma_wait3A_127 = arith.constant 0 : i32
      %dma_wait3A_128 = arith.constant 0 : i32
      %dma_wait3A_129 = tpu.memref_slice %arg11[%run_scoped3A_65, %dma_wait3A_127, %dma_wait3A_128] : memref<2x128x128xf32, #tpu.memory_space<vmem>> -> memref<1x128x128xf32, #tpu.memory_space<vmem>>
      %dma_wait3A_130 = tpu.memref_squeeze %dma_wait3A_129 : memref<1x128x128xf32, #tpu.memory_space<vmem>> -> memref<128x128xf32, #tpu.memory_space<vmem>>
      tpu.wait_dma2 semaphore(%run_scoped3A_106 : memref<!tpu.dma_semaphore, #tpu.memory_space<semaphore_mem>>) src(%dma_wait3A_130 : memref<128x128xf32, #tpu.memory_space<vmem>>) dst(%dma_wait3A_126 : memref<128x128xf32, #tpu.memory_space<hbm>>)
      tpu.yield
    }) : () -> ()
    %dma_start3A_66 = arith.constant 1 : i32
    %dma_start3A_67 = arith.constant 0 : i32
    %dma_start3A_68 = arith.constant 0 : i32
    %dma_start3A_69 = tpu.memref_slice %arg11[%dma_start3A_66, %dma_start3A_67, %dma_start3A_68] : memref<2x128x128xf32, #tpu.memory_space<vmem>> -> memref<1x128x128xf32, #tpu.memory_space<vmem>>
    %dma_start3A_70 = tpu.memref_squeeze %dma_start3A_69 : memref<1x128x128xf32, #tpu.memory_space<vmem>> -> memref<128x128xf32, #tpu.memory_space<vmem>>
    %dma_start3A_71 = arith.constant 384 : i32
    %dma_start3A_72 = tpu.memref_slice %arg10[%dma_start3A_71] : memref<512xi32, #tpu.memory_space<vmem>> -> memref<128xi32, #tpu.memory_space<vmem>>
    %dma_start3A_73 = arith.constant 0 : i32
    %dma_start3A_74 = arith.constant 0 : i32
    %dma_start3A_75 = tpu.memref_slice %arg5[%dma_start3A_73, %dma_start3A_74] : memref<32768x128xf32, #tpu.memory_space<hbm>> -> memref<32768x128xf32, #tpu.memory_space<hbm>>
    tpu.enqueue_indirect_dma source(%dma_start3A_75 : memref<32768x128xf32, #tpu.memory_space<hbm>>) target(%dma_start3A_70 : memref<128x128xf32, #tpu.memory_space<vmem>>) offsets(%dma_start3A_72 : memref<128xi32, #tpu.memory_space<vmem>>) semaphore(%arg12 : memref<!tpu.dma_semaphore, #tpu.memory_space<semaphore_mem>>)
    %dma_wait3A_76 = arith.constant 0 : i32
    %dma_wait3A_77 = arith.constant 0 : i32
    %dma_wait3A_78 = arith.constant 0 : i32
    %dma_wait3A_79 = tpu.memref_slice %arg11[%dma_wait3A_76, %dma_wait3A_77, %dma_wait3A_78] : memref<2x128x128xf32, #tpu.memory_space<vmem>> -> memref<1x128x128xf32, #tpu.memory_space<vmem>>
    %dma_wait3A_80 = tpu.memref_squeeze %dma_wait3A_79 : memref<1x128x128xf32, #tpu.memory_space<vmem>> -> memref<128x128xf32, #tpu.memory_space<vmem>>
    %dma_wait3A_81 = arith.constant 256 : i32
    %dma_wait3A_82 = tpu.memref_slice %arg10[%dma_wait3A_81] : memref<512xi32, #tpu.memory_space<vmem>> -> memref<128xi32, #tpu.memory_space<vmem>>
    %dma_wait3A_83 = arith.constant 0 : i32
    %dma_wait3A_84 = arith.constant 0 : i32
    %dma_wait3A_85 = tpu.memref_slice %arg5[%dma_wait3A_83, %dma_wait3A_84] : memref<32768x128xf32, #tpu.memory_space<hbm>> -> memref<32768x128xf32, #tpu.memory_space<hbm>>
    tpu.wait_indirect_dma semaphore(%arg12 : memref<!tpu.dma_semaphore, #tpu.memory_space<semaphore_mem>>) src(%dma_wait3A_85 : memref<32768x128xf32, #tpu.memory_space<hbm>>) dst(%dma_wait3A_80 : memref<128x128xf32, #tpu.memory_space<vmem>>)
    %mul3A_86 = arith.constant 512 : i32
    %mul3A_87 = arith.muli %add3A, %mul3A_86 : i32
    %add3A_88 = arith.constant 256 : i32
    %add3A_89 = arith.addi %mul3A_87, %add3A_88 : i32
    %run_scoped3A_90 = arith.constant 0 : i32
    "tpu.region"() ({
      %run_scoped3A_106 = tpu.sem_alloc : memref<!tpu.dma_semaphore, #tpu.memory_space<semaphore_mem>>
      %dma_start3A_107 = arith.constant 0 : i32
      %dma_start3A_108 = arith.constant 0 : i32
      %dma_start3A_109 = tpu.memref_slice %arg11[%run_scoped3A_90, %dma_start3A_107, %dma_start3A_108] : memref<2x128x128xf32, #tpu.memory_space<vmem>> -> memref<1x128x128xf32, #tpu.memory_space<vmem>>
      %dma_start3A_110 = tpu.memref_squeeze %dma_start3A_109 : memref<1x128x128xf32, #tpu.memory_space<vmem>> -> memref<128x128xf32, #tpu.memory_space<vmem>>
      %dma_start3A_111 = arith.constant 0 : i32
      %dma_start3A_112 = tpu.memref_slice %arg6[%add3A_89, %dma_start3A_111] : memref<16384x128xf32, #tpu.memory_space<hbm>> -> memref<128x128xf32, #tpu.memory_space<hbm>>
      %dma_start3A_113 = arith.constant 0 : i32
      %dma_start3A_114 = tpu.memref_slice %arg6[%add3A_89, %dma_start3A_113] : memref<16384x128xf32, #tpu.memory_space<hbm>> -> memref<128x128xf32, #tpu.memory_space<hbm>>
      %dma_start3A_115 = arith.constant 0 : i32
      %dma_start3A_116 = arith.constant 0 : i32
      %dma_start3A_117 = tpu.memref_slice %arg11[%run_scoped3A_90, %dma_start3A_115, %dma_start3A_116] : memref<2x128x128xf32, #tpu.memory_space<vmem>> -> memref<1x128x128xf32, #tpu.memory_space<vmem>>
      %dma_start3A_118 = tpu.memref_squeeze %dma_start3A_117 : memref<1x128x128xf32, #tpu.memory_space<vmem>> -> memref<128x128xf32, #tpu.memory_space<vmem>>
      tpu.enqueue_dma source(%dma_start3A_118 : memref<128x128xf32, #tpu.memory_space<vmem>>) target(%dma_start3A_114 : memref<128x128xf32, #tpu.memory_space<hbm>>) target_semaphore(%run_scoped3A_106 : memref<!tpu.dma_semaphore, #tpu.memory_space<semaphore_mem>>)
      %dma_wait3A_119 = arith.constant 0 : i32
      %dma_wait3A_120 = arith.constant 0 : i32
      %dma_wait3A_121 = tpu.memref_slice %arg11[%run_scoped3A_90, %dma_wait3A_119, %dma_wait3A_120] : memref<2x128x128xf32, #tpu.memory_space<vmem>> -> memref<1x128x128xf32, #tpu.memory_space<vmem>>
      %dma_wait3A_122 = tpu.memref_squeeze %dma_wait3A_121 : memref<1x128x128xf32, #tpu.memory_space<vmem>> -> memref<128x128xf32, #tpu.memory_space<vmem>>
      %dma_wait3A_123 = arith.constant 0 : i32
      %dma_wait3A_124 = tpu.memref_slice %arg6[%add3A_89, %dma_wait3A_123] : memref<16384x128xf32, #tpu.memory_space<hbm>> -> memref<128x128xf32, #tpu.memory_space<hbm>>
      %dma_wait3A_125 = arith.constant 0 : i32
      %dma_wait3A_126 = tpu.memref_slice %arg6[%add3A_89, %dma_wait3A_125] : memref<16384x128xf32, #tpu.memory_space<hbm>> -> memref<128x128xf32, #tpu.memory_space<hbm>>
      %dma_wait3A_127 = arith.constant 0 : i32
      %dma_wait3A_128 = arith.constant 0 : i32
      %dma_wait3A_129 = tpu.memref_slice %arg11[%run_scoped3A_90, %dma_wait3A_127, %dma_wait3A_128] : memref<2x128x128xf32, #tpu.memory_space<vmem>> -> memref<1x128x128xf32, #tpu.memory_space<vmem>>
      %dma_wait3A_130 = tpu.memref_squeeze %dma_wait3A_129 : memref<1x128x128xf32, #tpu.memory_space<vmem>> -> memref<128x128xf32, #tpu.memory_space<vmem>>
      tpu.wait_dma2 semaphore(%run_scoped3A_106 : memref<!tpu.dma_semaphore, #tpu.memory_space<semaphore_mem>>) src(%dma_wait3A_130 : memref<128x128xf32, #tpu.memory_space<vmem>>) dst(%dma_wait3A_126 : memref<128x128xf32, #tpu.memory_space<hbm>>)
      tpu.yield
    }) : () -> ()
    %dma_wait3A_91 = arith.constant 1 : i32
    %dma_wait3A_92 = arith.constant 0 : i32
    %dma_wait3A_93 = arith.constant 0 : i32
    %dma_wait3A_94 = tpu.memref_slice %arg11[%dma_wait3A_91, %dma_wait3A_92, %dma_wait3A_93] : memref<2x128x128xf32, #tpu.memory_space<vmem>> -> memref<1x128x128xf32, #tpu.memory_space<vmem>>
    %dma_wait3A_95 = tpu.memref_squeeze %dma_wait3A_94 : memref<1x128x128xf32, #tpu.memory_space<vmem>> -> memref<128x128xf32, #tpu.memory_space<vmem>>
    %dma_wait3A_96 = arith.constant 384 : i32
    %dma_wait3A_97 = tpu.memref_slice %arg10[%dma_wait3A_96] : memref<512xi32, #tpu.memory_space<vmem>> -> memref<128xi32, #tpu.memory_space<vmem>>
    %dma_wait3A_98 = arith.constant 0 : i32
    %dma_wait3A_99 = arith.constant 0 : i32
    %dma_wait3A_100 = tpu.memref_slice %arg5[%dma_wait3A_98, %dma_wait3A_99] : memref<32768x128xf32, #tpu.memory_space<hbm>> -> memref<32768x128xf32, #tpu.memory_space<hbm>>
    tpu.wait_indirect_dma semaphore(%arg12 : memref<!tpu.dma_semaphore, #tpu.memory_space<semaphore_mem>>) src(%dma_wait3A_100 : memref<32768x128xf32, #tpu.memory_space<hbm>>) dst(%dma_wait3A_95 : memref<128x128xf32, #tpu.memory_space<vmem>>)
    %mul3A_101 = arith.constant 512 : i32
    %mul3A_102 = arith.muli %add3A, %mul3A_101 : i32
    %add3A_103 = arith.constant 384 : i32
    %add3A_104 = arith.addi %mul3A_102, %add3A_103 : i32
    %run_scoped3A_105 = arith.constant 1 : i32
    "tpu.region"() ({
      %run_scoped3A_106 = tpu.sem_alloc : memref<!tpu.dma_semaphore, #tpu.memory_space<semaphore_mem>>
      %dma_start3A_107 = arith.constant 0 : i32
      %dma_start3A_108 = arith.constant 0 : i32
      %dma_start3A_109 = tpu.memref_slice %arg11[%run_scoped3A_105, %dma_start3A_107, %dma_start3A_108] : memref<2x128x128xf32, #tpu.memory_space<vmem>> -> memref<1x128x128xf32, #tpu.memory_space<vmem>>
      %dma_start3A_110 = tpu.memref_squeeze %dma_start3A_109 : memref<1x128x128xf32, #tpu.memory_space<vmem>> -> memref<128x128xf32, #tpu.memory_space<vmem>>
      %dma_start3A_111 = arith.constant 0 : i32
      %dma_start3A_112 = tpu.memref_slice %arg6[%add3A_104, %dma_start3A_111] : memref<16384x128xf32, #tpu.memory_space<hbm>> -> memref<128x128xf32, #tpu.memory_space<hbm>>
      %dma_start3A_113 = arith.constant 0 : i32
      %dma_start3A_114 = tpu.memref_slice %arg6[%add3A_104, %dma_start3A_113] : memref<16384x128xf32, #tpu.memory_space<hbm>> -> memref<128x128xf32, #tpu.memory_space<hbm>>
      %dma_start3A_115 = arith.constant 0 : i32
      %dma_start3A_116 = arith.constant 0 : i32
      %dma_start3A_117 = tpu.memref_slice %arg11[%run_scoped3A_105, %dma_start3A_115, %dma_start3A_116] : memref<2x128x128xf32, #tpu.memory_space<vmem>> -> memref<1x128x128xf32, #tpu.memory_space<vmem>>
      %dma_start3A_118 = tpu.memref_squeeze %dma_start3A_117 : memref<1x128x128xf32, #tpu.memory_space<vmem>> -> memref<128x128xf32, #tpu.memory_space<vmem>>
      tpu.enqueue_dma source(%dma_start3A_118 : memref<128x128xf32, #tpu.memory_space<vmem>>) target(%dma_start3A_114 : memref<128x128xf32, #tpu.memory_space<hbm>>) target_semaphore(%run_scoped3A_106 : memref<!tpu.dma_semaphore, #tpu.memory_space<semaphore_mem>>)
      %dma_wait3A_119 = arith.constant 0 : i32
      %dma_wait3A_120 = arith.constant 0 : i32
      %dma_wait3A_121 = tpu.memref_slice %arg11[%run_scoped3A_105, %dma_wait3A_119, %dma_wait3A_120] : memref<2x128x128xf32, #tpu.memory_space<vmem>> -> memref<1x128x128xf32, #tpu.memory_space<vmem>>
      %dma_wait3A_122 = tpu.memref_squeeze %dma_wait3A_121 : memref<1x128x128xf32, #tpu.memory_space<vmem>> -> memref<128x128xf32, #tpu.memory_space<vmem>>
      %dma_wait3A_123 = arith.constant 0 : i32
      %dma_wait3A_124 = tpu.memref_slice %arg6[%add3A_104, %dma_wait3A_123] : memref<16384x128xf32, #tpu.memory_space<hbm>> -> memref<128x128xf32, #tpu.memory_space<hbm>>
      %dma_wait3A_125 = arith.constant 0 : i32
      %dma_wait3A_126 = tpu.memref_slice %arg6[%add3A_104, %dma_wait3A_125] : memref<16384x128xf32, #tpu.memory_space<hbm>> -> memref<128x128xf32, #tpu.memory_space<hbm>>
      %dma_wait3A_127 = arith.constant 0 : i32
      %dma_wait3A_128 = arith.constant 0 : i32
      %dma_wait3A_129 = tpu.memref_slice %arg11[%run_scoped3A_105, %dma_wait3A_127, %dma_wait3A_128] : memref<2x128x128xf32, #tpu.memory_space<vmem>> -> memref<1x128x128xf32, #tpu.memory_space<vmem>>
      %dma_wait3A_130 = tpu.memref_squeeze %dma_wait3A_129 : memref<1x128x128xf32, #tpu.memory_space<vmem>> -> memref<128x128xf32, #tpu.memory_space<vmem>>
      tpu.wait_dma2 semaphore(%run_scoped3A_106 : memref<!tpu.dma_semaphore, #tpu.memory_space<semaphore_mem>>) src(%dma_wait3A_130 : memref<128x128xf32, #tpu.memory_space<vmem>>) dst(%dma_wait3A_126 : memref<128x128xf32, #tpu.memory_space<hbm>>)
      tpu.yield
    }) : () -> ()
    return
  }
}

module attributes {stable_mosaic.version = 14 : i64} {
  func.func @_fused_scores_tc_kernel(%arg0: i32, %arg1: memref<1x1024x96xf32, #tpu.memory_space<vmem>>, %arg2: memref<1x77x96xf32, #tpu.memory_space<vmem>>, %arg3: memref<256x96xf32, #tpu.memory_space<vmem>>, %arg4: memref<1x96xf32, #tpu.memory_space<vmem>>, %arg5: memref<1x96xf32, #tpu.memory_space<vmem>>, %arg6: memref<1x96xf32, #tpu.memory_space<vmem>>, %arg7: memref<96x1xf32, #tpu.memory_space<vmem>>, %arg8: memref<1x1024x128xf32, #tpu.memory_space<vmem>>, %arg9: memref<1x1x1024xi32, #tpu.memory_space<vmem>>, %arg10: memref<32x16xi32, #tpu.memory_space<vmem>>, %arg11: memref<32x16xi32, #tpu.memory_space<vmem>>, %arg12: memref<32x1024xi32, #tpu.memory_space<vmem>>) attributes {dimension_semantics = [#tpu.dimension_semantics<arbitrary>], iteration_bounds = array<i64: 32>, scalar_prefetch = 0 : i64, scratch_operands = 1 : i64, tpu.core_type = #tpu.core_type<tc>, window_params = [{transform_indices = @transform_0, window_bounds = array<i64: 1, 1024, 96>}, {transform_indices = @transform_1, window_bounds = array<i64: 1, 77, 96>}, {pipeline_mode = #tpu.pipeline_mode<synchronous>, transform_indices = @transform_2, window_bounds = array<i64: 256, 96>}, {pipeline_mode = #tpu.pipeline_mode<synchronous>, transform_indices = @transform_3, window_bounds = array<i64: 1, 96>}, {pipeline_mode = #tpu.pipeline_mode<synchronous>, transform_indices = @transform_4, window_bounds = array<i64: 1, 96>}, {pipeline_mode = #tpu.pipeline_mode<synchronous>, transform_indices = @transform_5, window_bounds = array<i64: 1, 96>}, {pipeline_mode = #tpu.pipeline_mode<synchronous>, transform_indices = @transform_6, window_bounds = array<i64: 96, 1>}, {transform_indices = @transform_7, window_bounds = array<i64: 1, 1024, 128>}, {transform_indices = @transform_8, window_bounds = array<i64: 1, 1, 1024>}, {pipeline_mode = #tpu.pipeline_mode<synchronous>, transform_indices = @transform_9, window_bounds = array<i64: 32, 16>}, {pipeline_mode = #tpu.pipeline_mode<synchronous>, transform_indices = @transform_10, window_bounds = array<i64: 32, 16>}]} {
    %get3A = arith.constant 0 : index
    %get3A_0 = arith.constant 0 : index
    %get3A_1 = arith.constant 0 : index
    %get3A_2 = vector.load %arg1[%get3A, %get3A_0, %get3A_1] : memref<1x1024x96xf32, #tpu.memory_space<vmem>>, vector<1x1024x96xf32>
    %get3A_3 = vector.shape_cast %get3A_2 : vector<1x1024x96xf32> to vector<1024x96xf32>
    %get3A_4 = arith.constant 0 : index
    %get3A_5 = arith.constant 0 : index
    %get3A_6 = arith.constant 0 : index
    %get3A_7 = vector.load %arg2[%get3A_4, %get3A_5, %get3A_6] : memref<1x77x96xf32, #tpu.memory_space<vmem>>, vector<1x77x96xf32>
    %get3A_8 = vector.shape_cast %get3A_7 : vector<1x77x96xf32> to vector<77x96xf32>
    %reduce_sum3A = arith.constant dense<0.000000e+00> : vector<96xf32>
    %reduce_sum3A_9 = vector.multi_reduction <add>, %get3A_8, %reduce_sum3A [0] : vector<77x96xf32> to vector<96xf32>
    %broadcast_in_dim3A = vector.shape_cast %reduce_sum3A_9 : vector<96xf32> to vector<1x96xf32>
    %div3A = arith.constant 7.700000e+01 : f32
    %div3A_10 = vector.broadcast %div3A : f32 to vector<1x96xf32>
    %div3A_11 = arith.divf %broadcast_in_dim3A, %div3A_10 : vector<1x96xf32>
    %broadcast_in_dim3A_12 = vector.shape_cast %div3A_11 : vector<1x96xf32> to vector<1x96xf32>
    %broadcast_in_dim3A_13 = vector.broadcast %broadcast_in_dim3A_12 : vector<1x96xf32> to vector<1024x96xf32>
    %broadcast_in_dim3A_14 = arith.constant 0.000000e+00 : f32
    %broadcast_in_dim3A_15 = vector.broadcast %broadcast_in_dim3A_14 : f32 to vector<1024x32xf32>
    %concatenate3A = tpu.concatenate %get3A_3, %broadcast_in_dim3A_15, %broadcast_in_dim3A_13, %broadcast_in_dim3A_15 in 1 : vector<1024x96xf32>, vector<1024x32xf32>, vector<1024x96xf32>, vector<1024x32xf32> -> vector<1024x256xf32>
    %get3A_16 = arith.constant 0 : index
    %get3A_17 = arith.constant 0 : index
    %get3A_18 = vector.load %arg3[%get3A_16, %get3A_17] : memref<256x96xf32, #tpu.memory_space<vmem>>, vector<256x96xf32>
    %dot_general3A = arith.constant dense<0.000000e+00> : vector<1024x96xf32>
    %dot_general3A_19 = tpu.matmul %concatenate3A, %get3A_18, %dot_general3A {dimension_numbers = #tpu.dot_dimension_numbers<[1], [0], [0], [1], [0, 0, 1, 1], [], []>, transpose_lhs_hint = false} : vector<1024x256xf32>, vector<256x96xf32>, vector<1024x96xf32> -> vector<1024x96xf32>
    %get3A_20 = arith.constant 0 : index
    %get3A_21 = arith.constant 0 : index
    %get3A_22 = vector.load %arg4[%get3A_20, %get3A_21] : memref<1x96xf32, #tpu.memory_space<vmem>>, vector<1x96xf32>
    %add3A = vector.broadcast %get3A_22 : vector<1x96xf32> to vector<1024x96xf32>
    %add3A_23 = arith.addf %dot_general3A_19, %add3A : vector<1024x96xf32>
    %reduce_sum3A_24 = arith.constant dense<0.000000e+00> : vector<1024xf32>
    %reduce_sum3A_25 = vector.multi_reduction <add>, %add3A_23, %reduce_sum3A_24 [1] : vector<1024x96xf32> to vector<1024xf32>
    %broadcast_in_dim3A_26 = vector.shape_cast %reduce_sum3A_25 : vector<1024xf32> to vector<1024x1xf32>
    %div3A_27 = arith.constant 9.600000e+01 : f32
    %div3A_28 = vector.broadcast %div3A_27 : f32 to vector<1024x1xf32>
    %div3A_29 = arith.divf %broadcast_in_dim3A_26, %div3A_28 : vector<1024x1xf32>
    %sub3A = vector.broadcast %div3A_29 : vector<1024x1xf32> to vector<1024x96xf32>
    %sub3A_30 = arith.subf %add3A_23, %sub3A : vector<1024x96xf32>
    %mul3A = arith.mulf %sub3A_30, %sub3A_30 : vector<1024x96xf32>
    %reduce_sum3A_31 = arith.constant dense<0.000000e+00> : vector<1024xf32>
    %reduce_sum3A_32 = vector.multi_reduction <add>, %mul3A, %reduce_sum3A_31 [1] : vector<1024x96xf32> to vector<1024xf32>
    %broadcast_in_dim3A_33 = vector.shape_cast %reduce_sum3A_32 : vector<1024xf32> to vector<1024x1xf32>
    %div3A_34 = arith.constant 9.600000e+01 : f32
    %div3A_35 = vector.broadcast %div3A_34 : f32 to vector<1024x1xf32>
    %div3A_36 = arith.divf %broadcast_in_dim3A_33, %div3A_35 : vector<1024x1xf32>
    %add3A_37 = arith.constant 9.99999974E-6 : f32
    %add3A_38 = vector.broadcast %add3A_37 : f32 to vector<1024x1xf32>
    %add3A_39 = arith.addf %div3A_36, %add3A_38 : vector<1024x1xf32>
    %sqrt3A = math.sqrt %add3A_39 : vector<1024x1xf32>
    %div3A_40 = vector.broadcast %sqrt3A : vector<1024x1xf32> to vector<1024x96xf32>
    %div3A_41 = arith.divf %sub3A_30, %div3A_40 : vector<1024x96xf32>
    %get3A_42 = arith.constant 0 : index
    %get3A_43 = arith.constant 0 : index
    %get3A_44 = vector.load %arg5[%get3A_42, %get3A_43] : memref<1x96xf32, #tpu.memory_space<vmem>>, vector<1x96xf32>
    %mul3A_45 = vector.broadcast %get3A_44 : vector<1x96xf32> to vector<1024x96xf32>
    %mul3A_46 = arith.mulf %div3A_41, %mul3A_45 : vector<1024x96xf32>
    %get3A_47 = arith.constant 0 : index
    %get3A_48 = arith.constant 0 : index
    %get3A_49 = vector.load %arg6[%get3A_47, %get3A_48] : memref<1x96xf32, #tpu.memory_space<vmem>>, vector<1x96xf32>
    %add3A_50 = vector.broadcast %get3A_49 : vector<1x96xf32> to vector<1024x96xf32>
    %add3A_51 = arith.addf %mul3A_46, %add3A_50 : vector<1024x96xf32>
    %get3A_52 = arith.constant 0 : index
    %get3A_53 = arith.constant 0 : index
    %get3A_54 = vector.load %arg7[%get3A_52, %get3A_53] : memref<96x1xf32, #tpu.memory_space<vmem>>, vector<96x1xf32>
    %dot_general3A_55 = arith.constant dense<0.000000e+00> : vector<1024x1xf32>
    %dot_general3A_56 = tpu.matmul %add3A_51, %get3A_54, %dot_general3A_55 {dimension_numbers = #tpu.dot_dimension_numbers<[1], [0], [0], [1], [0, 0, 1, 1], [], []>, transpose_lhs_hint = false} : vector<1024x96xf32>, vector<96x1xf32>, vector<1024x1xf32> -> vector<1024x1xf32>
    %reshape3A = vector.shape_cast %dot_general3A_56 : vector<1024x1xf32> to vector<1x1024xf32>
    %bitcast_convert_type3A = tpu.bitcast %reshape3A : vector<1x1024xf32> -> vector<1x1024xi32>
    %ge3A = arith.constant 0 : i32
    %ge3A_57 = vector.broadcast %ge3A : i32 to vector<1x1024xi32>
    %ge3A_58 = arith.cmpi sge, %bitcast_convert_type3A, %ge3A_57 : vector<1x1024xi32>
    %not3A = arith.constant dense<-1> : vector<1x1024xi32>
    %not3A_59 = arith.xori %bitcast_convert_type3A, %not3A : vector<1x1024xi32>
    %xor3A = arith.constant -2147483648 : i32
    %xor3A_60 = vector.broadcast %xor3A : i32 to vector<1x1024xi32>
    %xor3A_61 = arith.xori %not3A_59, %xor3A_60 : vector<1x1024xi32>
    %select_n3A = arith.select %ge3A_58, %bitcast_convert_type3A, %xor3A_61 : vector<1x1024xi1>, vector<1x1024xi32>
    %swap3A = arith.constant 0 : index
    %swap3A_62 = arith.constant 0 : index
    %swap3A_63 = arith.constant 0 : index
    %swap3A_64 = vector.load %arg9[%swap3A, %swap3A_62, %swap3A_63] : memref<1x1x1024xi32, #tpu.memory_space<vmem>>, vector<1x1x1024xi32>
    %swap3A_65 = vector.shape_cast %swap3A_64 : vector<1x1x1024xi32> to vector<1x1024xi32>
    %swap3A_66 = vector.shape_cast %select_n3A : vector<1x1024xi32> to vector<1x1x1024xi32>
    tpu.vector_store %arg9[%swap3A, %swap3A_62, %swap3A_63], %swap3A_66 {strides = array<i32>} : memref<1x1x1024xi32, #tpu.memory_space<vmem>>, vector<1x1x1024xi32>,
    %concatenate3A_67 = tpu.concatenate %add3A_23, %broadcast_in_dim3A_15 in 1 : vector<1024x96xf32>, vector<1024x32xf32> -> vector<1024x128xf32>
    %swap3A_68 = arith.constant 0 : index
    %swap3A_69 = arith.constant 0 : index
    %swap3A_70 = arith.constant 0 : index
    %swap3A_71 = vector.load %arg8[%swap3A_68, %swap3A_69, %swap3A_70] : memref<1x1024x128xf32, #tpu.memory_space<vmem>>, vector<1x1024x128xf32>
    %swap3A_72 = vector.shape_cast %swap3A_71 : vector<1x1024x128xf32> to vector<1024x128xf32>
    %swap3A_73 = vector.shape_cast %concatenate3A_67 : vector<1024x128xf32> to vector<1x1024x128xf32>
    tpu.vector_store %arg8[%swap3A_68, %swap3A_69, %swap3A_70], %swap3A_73 {strides = array<i32>} : memref<1x1024x128xf32, #tpu.memory_space<vmem>>, vector<1x1024x128xf32>,
    %swap3A_74 = arith.index_cast %arg0 : i32 to index
    %swap3A_75 = arith.constant 0 : index
    %swap3A_76 = vector.load %arg12[%swap3A_74, %swap3A_75] : memref<32x1024xi32, #tpu.memory_space<vmem>>, vector<1x1024xi32>
    tpu.vector_store %arg12[%swap3A_74, %swap3A_75], %select_n3A {strides = array<i32>} : memref<32x1024xi32, #tpu.memory_space<vmem>>, vector<1x1024xi32>,
    %eq3A = arith.constant 31 : i32
    %eq3A_77 = arith.cmpi eq, %arg0, %eq3A : i32
    %convert_element_type3A = arith.extui %eq3A_77 : i1 to i32
    %cond3A = arith.constant 0 : i32
    %cond3A_78 = arith.cmpi ne, %convert_element_type3A, %cond3A : i32
    scf.if %cond3A_78 {
      %get3A_79 = arith.constant 0 : index
      %get3A_80 = arith.constant 0 : index
      %get3A_81 = vector.load %arg12[%get3A_79, %get3A_80] : memref<32x1024xi32, #tpu.memory_space<vmem>>, vector<32x1024xi32>
      %broadcast_in_dim3A_82 = arith.constant -2147483648 : i32
      %broadcast_in_dim3A_83 = vector.broadcast %broadcast_in_dim3A_82 : i32 to vector<32x1xi32>
      %ge3A_84 = arith.constant 0 : i32
      %ge3A_85 = vector.broadcast %ge3A_84 : i32 to vector<32x1024xi32>
      %ge3A_86 = arith.cmpi sge, %get3A_81, %ge3A_85 : vector<32x1024xi32>
      %convert_element_type3A_87 = arith.extui %ge3A_86 : vector<32x1024xi1> to vector<32x1024xi32>
      %reduce_sum3A_88 = arith.constant dense<0> : vector<32xi32>
      %reduce_sum3A_89 = vector.multi_reduction <add>, %convert_element_type3A_87, %reduce_sum3A_88 [1] : vector<32x1024xi32> to vector<32xi32>
      %broadcast_in_dim3A_90 = vector.shape_cast %reduce_sum3A_89 : vector<32xi32> to vector<32x1xi32>
      %ge3A_91 = arith.constant 512 : i32
      %ge3A_92 = vector.broadcast %ge3A_91 : i32 to vector<32x1xi32>
      %ge3A_93 = arith.cmpi sge, %broadcast_in_dim3A_90, %ge3A_92 : vector<32x1xi32>
      %broadcast_in_dim3A_94 = arith.constant 0 : i32
      %broadcast_in_dim3A_95 = vector.broadcast %broadcast_in_dim3A_94 : i32 to vector<32x1xi32>
      %select_n3A_96 = arith.select %ge3A_93, %broadcast_in_dim3A_95, %broadcast_in_dim3A_83 : vector<32x1xi1>, vector<32x1xi32>
      %scan3A = arith.constant 0 : i32
      %scan3A_97 = arith.constant 31 : i32
      %scan3A_98 = arith.addi %scan3A, %scan3A_97 : i32
      %scan3A_99 = arith.constant 1 : i32
      %scan3A_100 = scf.for %scan3A_120 = %scan3A to %scan3A_98 step %scan3A_99 iter_args(%scan3A_121 = %select_n3A_96) -> (vector<32x1xi32>)  : i32 {
        %sub3A_122 = arith.constant 30 : i32
        %sub3A_123 = arith.subi %sub3A_122, %scan3A_120 : i32
        %shift_left3A = arith.constant 1 : i32
        %shift_left3A_124 = arith.shli %shift_left3A, %sub3A_123 : i32
        %add3A_125 = vector.broadcast %shift_left3A_124 : i32 to vector<32x1xi32>
        %add3A_126 = arith.addi %scan3A_121, %add3A_125 : vector<32x1xi32>
        %ge3A_127 = vector.broadcast %add3A_126 : vector<32x1xi32> to vector<32x1024xi32>
        %ge3A_128 = arith.cmpi sge, %get3A_81, %ge3A_127 : vector<32x1024xi32>
        %convert_element_type3A_129 = arith.extui %ge3A_128 : vector<32x1024xi1> to vector<32x1024xi32>
        %reduce_sum3A_130 = arith.constant dense<0> : vector<32xi32>
        %reduce_sum3A_131 = vector.multi_reduction <add>, %convert_element_type3A_129, %reduce_sum3A_130 [1] : vector<32x1024xi32> to vector<32xi32>
        %broadcast_in_dim3A_132 = vector.shape_cast %reduce_sum3A_131 : vector<32xi32> to vector<32x1xi32>
        %ge3A_133 = arith.constant 512 : i32
        %ge3A_134 = vector.broadcast %ge3A_133 : i32 to vector<32x1xi32>
        %ge3A_135 = arith.cmpi sge, %broadcast_in_dim3A_132, %ge3A_134 : vector<32x1xi32>
        %select_n3A_136 = arith.select %ge3A_135, %add3A_126, %scan3A_121 : vector<32x1xi1>, vector<32x1xi32>
        scf.yield %select_n3A_136 : vector<32x1xi32>
      }
      %scan3A_101 = arith.constant 31 : i32
      %gt3A = vector.broadcast %scan3A_100 : vector<32x1xi32> to vector<32x1024xi32>
      %gt3A_102 = arith.cmpi sgt, %get3A_81, %gt3A : vector<32x1024xi32>
      %convert_element_type3A_103 = arith.extui %gt3A_102 : vector<32x1024xi1> to vector<32x1024xi32>
      %reduce_sum3A_104 = arith.constant dense<0> : vector<32xi32>
      %reduce_sum3A_105 = vector.multi_reduction <add>, %convert_element_type3A_103, %reduce_sum3A_104 [1] : vector<32x1024xi32> to vector<32xi32>
      %broadcast_in_dim3A_106 = vector.shape_cast %reduce_sum3A_105 : vector<32xi32> to vector<32x1xi32>
      %broadcast_in_dim3A_107 = vector.shape_cast %scan3A_100 : vector<32x1xi32> to vector<32x1xi32>
      %broadcast_in_dim3A_108 = vector.broadcast %broadcast_in_dim3A_107 : vector<32x1xi32> to vector<32x16xi32>
      %swap3A_109 = arith.constant 0 : index
      %swap3A_110 = arith.constant 0 : index
      %swap3A_111 = vector.load %arg10[%swap3A_109, %swap3A_110] : memref<32x16xi32, #tpu.memory_space<vmem>>, vector<32x16xi32>
      tpu.vector_store %arg10[%swap3A_109, %swap3A_110], %broadcast_in_dim3A_108 {strides = array<i32>} : memref<32x16xi32, #tpu.memory_space<vmem>>, vector<32x16xi32>,
      %sub3A_112 = arith.constant 512 : i32
      %sub3A_113 = vector.broadcast %sub3A_112 : i32 to vector<32x1xi32>
      %sub3A_114 = arith.subi %sub3A_113, %broadcast_in_dim3A_106 : vector<32x1xi32>
      %broadcast_in_dim3A_115 = vector.shape_cast %sub3A_114 : vector<32x1xi32> to vector<32x1xi32>
      %broadcast_in_dim3A_116 = vector.broadcast %broadcast_in_dim3A_115 : vector<32x1xi32> to vector<32x16xi32>
      %swap3A_117 = arith.constant 0 : index
      %swap3A_118 = arith.constant 0 : index
      %swap3A_119 = vector.load %arg11[%swap3A_117, %swap3A_118] : memref<32x16xi32, #tpu.memory_space<vmem>>, vector<32x16xi32>
      tpu.vector_store %arg11[%swap3A_117, %swap3A_118], %broadcast_in_dim3A_116 {strides = array<i32>} : memref<32x16xi32, #tpu.memory_space<vmem>>, vector<32x16xi32>,
    } else {
    }
    return
  }
  func.func @transform_0(%arg0: i32) -> (i32, i32, i32) {
    %c0_i32 = arith.constant 0 : i32
    %c0_i32_0 = arith.constant 0 : i32
    %c0_i32_1 = arith.constant 0 : i32
    return %arg0, %c0_i32, %c0_i32_0 : i32, i32, i32
  }
  func.func @transform_1(%arg0: i32) -> (i32, i32, i32) {
    %c0_i32 = arith.constant 0 : i32
    %c0_i32_0 = arith.constant 0 : i32
    %c0_i32_1 = arith.constant 0 : i32
    return %arg0, %c0_i32, %c0_i32_0 : i32, i32, i32
  }
  func.func @transform_2(%arg0: i32) -> (i32, i32) {
    %c0_i32 = arith.constant 0 : i32
    %c0_i32_0 = arith.constant 0 : i32
    %c0_i32_1 = arith.constant 0 : i32
    return %c0_i32, %c0_i32_0 : i32, i32
  }
  func.func @transform_3(%arg0: i32) -> (i32, i32) {
    %c0_i32 = arith.constant 0 : i32
    %c0_i32_0 = arith.constant 0 : i32
    %c0_i32_1 = arith.constant 0 : i32
    return %c0_i32, %c0_i32_0 : i32, i32
  }
  func.func @transform_4(%arg0: i32) -> (i32, i32) {
    %c0_i32 = arith.constant 0 : i32
    %c0_i32_0 = arith.constant 0 : i32
    %c0_i32_1 = arith.constant 0 : i32
    return %c0_i32, %c0_i32_0 : i32, i32
  }
  func.func @transform_5(%arg0: i32) -> (i32, i32) {
    %c0_i32 = arith.constant 0 : i32
    %c0_i32_0 = arith.constant 0 : i32
    %c0_i32_1 = arith.constant 0 : i32
    return %c0_i32, %c0_i32_0 : i32, i32
  }
  func.func @transform_6(%arg0: i32) -> (i32, i32) {
    %c0_i32 = arith.constant 0 : i32
    %c0_i32_0 = arith.constant 0 : i32
    %c0_i32_1 = arith.constant 0 : i32
    return %c0_i32, %c0_i32_0 : i32, i32
  }
  func.func @transform_7(%arg0: i32) -> (i32, i32, i32) {
    %c0_i32 = arith.constant 0 : i32
    %c0_i32_0 = arith.constant 0 : i32
    %c0_i32_1 = arith.constant 0 : i32
    return %arg0, %c0_i32, %c0_i32_0 : i32, i32, i32
  }
  func.func @transform_8(%arg0: i32) -> (i32, i32, i32) {
    %c0_i32 = arith.constant 0 : i32
    %c0_i32_0 = arith.constant 0 : i32
    %c0_i32_1 = arith.constant 0 : i32
    return %arg0, %c0_i32, %c0_i32_0 : i32, i32, i32
  }
  func.func @transform_9(%arg0: i32) -> (i32, i32) {
    %c0_i32 = arith.constant 0 : i32
    %c0_i32_0 = arith.constant 0 : i32
    %c0_i32_1 = arith.constant 0 : i32
    return %c0_i32, %c0_i32_0 : i32, i32
  }
  func.func @transform_10(%arg0: i32) -> (i32, i32) {
    %c0_i32 = arith.constant 0 : i32
    %c0_i32_0 = arith.constant 0 : i32
    %c0_i32_1 = arith.constant 0 : i32
    return %c0_i32, %c0_i32_0 : i32, i32
  }
}

</mosaic_0001>

<sc_bundles>
// kernel: kernel.4.cloned.1.call-start
scs
__scs_entry_jumppad:
0x0: {  	(pc) =	sbr.rel $0x88, $3  }
0x1: {  	(tag) =	ssettag $0x0;
	lr =	simm.s32 $0x1  }
0x2: {  	[smem:$0x3F9A] =	sst lr;
	_ =	strace $0xD0000000  }
0x3: {  	_ = 	snop  }
0x4: {  	_ = 	snop  }
0x5: {  	_ = 	snop  }
0x6: {  	_ = 	snop  }
0x7: {  	_ = 	snop  }
__scs_overlays_trampoline_lowered:
0x8: {  	[smem:$0x3FA9] =	sst s0  }
0x9: {  	[smem:$0x3FAA] =	sst s1  }
0xa: {  	[smem:$0x3FAB] =	sst s2  }
0xb: {  	[smem:$0x3FAC] =	sst s3  }
0xc: {  	[smem:$0x3FAD] =	sst s4  }
0xd: {  	[smem:$0x3FAE] =	sst s5  }
0xe: {  	[smem:$0x3FAF] =	sst s6  }
0xf: {  	[smem:$0x3FB0] =	sst s7  }
0x10: {  	[smem:$0x3FB1] =	sst s8  }
0x11: {  	[smem:$0x3FB2] =	sst s9;
	s0 =	simm.s32 @!p0 $0x0  }
0x12: {  	s1 =	sld [smem:$0x3F98];
	s0 =	simm.s32 @p0 $0x1  }
0x13: {  	[smem:$0x3FB3] =	sst s0;
	s0 =	simm.s32 @!p1 $0x0  }
0x14: {  	s2 =	sld [smem:$0x3F97];
	s0 =	simm.s32 @p1 $0x1  }
0x15: {  	[smem:$0x3FB4] =	sst s0;
	s0 =	simm.s32 @!p2 $0x0  }
0x16: {  	s3 =	sld [smem:$0x3FDB];
	s0 =	simm.s32 @p2 $0x1  }
0x17: {  	s4 =	simm.s32 $0x1BF5;
	[smem:$0x3FB6] =	sst s0  }
0x18: {  	s0 =	sld [smem:$0x3F99];
	_ =	swait.ge [sflag:s4], $0x0  }
0x19: {  	s7 =	sld [smem:$0x3F9A]  }
0x1a: {  	s8 =	sadd.s32 $0xFFFFE003, lr  }
0x1b: {  	s9 =	sadd.s32 $0xFFFFFEF7, lr;
	s5 =	simm.s32 $0xFFFFFFFF;
	p2 =	slt.u32 s8, $0xFFFFF086  }
0x1c: {  	p1 =	slt.u32 s9, $0xF7A;
	s5 =	simm.s32 @!p2 $0x0  }
0x1d: {  	s5 =	simm.s32 @p1 $0x1;
	p0 =	seq.s32 s7, s2  }
0x1e: {  	s7 =	smul.u32 @!p0 $0xF7A, s2;
	p2 =	seq.s32 @!p0 s5, $0x0  }
0x1f: {  	s9 =	smul.u32 $0xF7A, s1;
	s8 =	simm.s32 @!p0 $0x1BF5;
	p2 =	por !p2, p0  }
0x20: {  	[sflag:s8] =	ssyncset.s32 @!p0 $0xFFFFF086;
	s6 =	sadd.s32 @!p0 s3, s7;
	s7 =	simm.s32 @!p0 $0x108  }
0x21: {  	s3 =	sadd.s32 s3, s9;
	s6 =	sadd.s32 @!p0 $0x88, s6;
	s7 =	simm.s32 @p2 $0x1082  }
0x22: {  	[simem:s7], [sflag:s8] =	dma.local @!p0 [hbm:s6], $0xF7A  }
0x23: {  	s9 =	sor.u32 $0xD0000000, s2;
	s6 =	simm.s32 $0x108;
	_ =	swait.ge @!p0 [sflag:s8], $0x0  }
0x24: {  	s3 =	sadd.s32 $0x88, s3;
	s6 =	simm.s32 @!p1 $0x1082;
	[sflag:s4] =	ssyncset.s32 $0xFFFFF086  }
0x25: {  	[simem:s6], [sflag:s4] =	dma.local [hbm:s3], $0xF7A  }
0x26: {  	[smem:$0x3F9A] =	sst s1;
	(tag) =	ssettag s2;
	_ =	strace s9  }
0x27: {  	s1 =	sld [smem:$0x3FAA]  }
0x28: {  	s2 =	sld [smem:$0x3FAB]  }
0x29: {  	s4 =	sld [smem:$0x3FAD]  }
0x2a: {  	p0 =	seq.s32 s5, $0x0;
	s5 =	sld [smem:$0x3FAE]  }
0x2b: {  	s6 =	sld [smem:$0x3FAF]  }
0x2c: {  	s7 =	sld [smem:$0x3FB0]  }
0x2d: {  	s3 =	simm.s32 $0x108;
	s8 =	sld [smem:$0x3FB1]  }
0x2e: {  	s3 =	simm.s32 @!p0 $0x1082;
	s9 =	sld [smem:$0x3FB2]  }
0x2f: {  	lr =	sadd.s32 s0, s3;
	s0 =	sld [smem:$0x3FA9]  }
0x30: {  	s3 =	sld [smem:$0x3FAC]  }
0x31: {  	[smem:$0x3FB5] =	sst s10  }
0x32: {  	s10 =	sld [smem:$0x3FB3];
	_ =	sdelay $0x3  }
0x33: {  	p0 =	seq.s32 s10, $0x1;
	s10 =	sld [smem:$0x3FB5];
	_ =	sdelay $0x3  }
0x34: {  	[smem:$0x3FB5] =	sst s10  }
0x35: {  	s10 =	sld [smem:$0x3FB4];
	_ =	sdelay $0x3  }
0x36: {  	p1 =	seq.s32 s10, $0x1;
	s10 =	sld [smem:$0x3FB5];
	_ =	sdelay $0x3  }
0x37: {  	[smem:$0x3FB5] =	sst s10  }
0x38: {  	s10 =	sld [smem:$0x3FB6]  }
0x39: {  	_ = 	snop;
	(pc) =	sbr.ind lr, $3  }
0x3a: {  	_ = 	snop  }
0x3b: {  	_ = 	snop  }
0x3c: {  	p2 =	seq.s32 s10, $0x1;
	s10 =	sld [smem:$0x3FB5]  }
0x3d: {  	_ =	shalt  }
0x3e: {  	_ =	shalt  }
0x3f: {  	_ =	shalt  }
0x40: {  	_ =	shalt  }
0x41: {  	_ =	shalt  }
0x42: {  	_ =	shalt  }
0x43: {  	_ =	shalt  }
0x44: {  	_ =	shalt  }
0x45: {  	_ =	shalt  }
0x46: {  	_ =	shalt  }
0x47: {  	_ =	shalt  }
0x48: {  	_ =	shalt  }
0x49: {  	_ =	shalt  }
0x4a: {  	_ =	shalt  }
0x4b: {  	_ =	shalt  }
0x4c: {  	_ =	shalt  }
0x4d: {  	_ =	shalt  }
0x4e: {  	_ =	shalt  }
0x4f: {  	_ =	shalt  }
0x50: {  	_ =	shalt  }
0x51: {  	_ =	shalt  }
0x52: {  	_ =	shalt  }
0x53: {  	_ =	shalt  }
0x54: {  	_ =	shalt  }
0x55: {  	_ =	shalt  }
0x56: {  	_ =	shalt  }
0x57: {  	_ =	shalt  }
0x58: {  	_ =	shalt  }
0x59: {  	_ =	shalt  }
0x5a: {  	_ =	shalt  }
0x5b: {  	_ =	shalt  }
0x5c: {  	_ =	shalt  }
0x5d: {  	_ =	shalt  }
0x5e: {  	_ =	shalt  }
0x5f: {  	_ =	shalt  }
0x60: {  	_ =	shalt  }
0x61: {  	_ =	shalt  }
0x62: {  	_ =	shalt  }
0x63: {  	_ =	shalt  }
0x64: {  	_ =	shalt  }
0x65: {  	_ =	shalt  }
0x66: {  	_ =	shalt  }
0x67: {  	_ =	shalt  }
0x68: {  	_ =	shalt  }
0x69: {  	_ =	shalt  }
0x6a: {  	_ =	shalt  }
0x6b: {  	_ =	shalt  }
0x6c: {  	_ =	shalt  }
0x6d: {  	_ =	shalt  }
0x6e: {  	_ =	shalt  }
0x6f: {  	_ =	shalt  }
0x70: {  	_ =	shalt  }
0x71: {  	_ =	shalt  }
0x72: {  	_ =	shalt  }
0x73: {  	_ =	shalt  }
0x74: {  	_ =	shalt  }
0x75: {  	_ =	shalt  }
0x76: {  	_ =	shalt  }
0x77: {  	_ =	shalt  }
0x78: {  	_ =	shalt  }
0x79: {  	_ =	shalt  }
0x7a: {  	_ =	shalt  }
0x7b: {  	_ =	shalt  }
0x7c: {  	_ =	shalt  }
0x7d: {  	_ =	shalt  }
0x7e: {  	_ =	shalt  }
0x7f: {  	_ =	shalt  }
0x80: {  	_ =	shalt  }
0x81: {  	_ =	shalt  }
0x82: {  	_ =	shalt  }
0x83: {  	_ =	shalt  }
0x84: {  	_ =	shalt  }
0x85: {  	_ =	shalt  }
0x86: {  	_ =	shalt  }
0x87: {  	_ =	shalt  }
.Lfunc_end0:
.L_simem_size_0:
called_computation_lowered:
.L_overlay_start_0:
0x88: {  	s2 =	sld [smem:$0x3FD9]  }
0x89: {  	s3 =	sld [smem:$0x3FFE];
	_ =	sdelay $0x1  }
0x8a: {  	s1 =	srdreg.scid  }
0x8b: {  	s0 =	sand.u32 $0x1, s1  }
0x8c: {  	s17 =	sshll.u32 s0, $0xA;
	s2 =	sadd.s32 s3, s2  }
0x8d: {  	s2 =	sadd.s32 s2, s17  }
0x8e: {  	[smem:$0x3FC1] =	sst s2  }
0x8f: {  	_ = 	snop  }
0x90: {  	s2 =	sld [smem:$0x3FD0];
	(tm) =	ssettm $0x1  }
0x91: {  	s18 =	sld [smem:$0x3FFB];
	_ =	sdelay $0x3  }
0x92: {  	_ =	strace s18  }
0x93: {  	s3 =	sld [smem:$0x3FFC];
	_ =	sdelay $0x3  }
0x94: {  	_ =	strace s3  }
0x95: {  	s3 =	sld [smem:$0x3FFD];
	_ =	sdelay $0x3  }
0x96: {  	_ =	strace s3  }
0x97: {  	_ =	strace $0x8FFFFFFF  }
0x98: {  	s19 =	sld [smem:$0x3FDB];
	_ =	sdelay $0x1  }
0x99: {  	s4 =	simm.s32 $_scs_section_size  }
0x9a: {  	s5 =	simm.s32 $_size__tile_overlayer_lowered;
	s6 =	simm.s32 $_tile_overlayer_lowered  }
0x9b: {  	s22 =	simm.s32 $0x1BFF;
	s21 =	sshll.u32 s6, $0x1;
	s3 =	sadd.s32 s4, s19  }
0x9c: {  	s7 =	simm.s32 $0x0;
	s20 =	sshll.u32 s5, $0x1;
	s5 =	sadd.s32 s21, s3  }
0x9d: {  	[timem:s7], [sflag:s22] =	dma.local [hbm:s5], s20  }
0x9e: {  	_ =	swait.ge [sflag:s22], s20  }
0x9f: {  	s4 =	ssub.s32 $0x0, s20;
	[sflag:s22] =	ssyncset.done $0x0  }
0xa0: {  	[sflag:s22] =	ssyncadd.s32 s4;
	_ =	sdelay $0x1  }
0xa1: {  	s23 =	simm.s32 $0x1B8B  }
0xa2: {  	_ =	swait.ge [sflag:s23], $0x1  }
0xa3: {  	[sflag:s23] =	ssyncset.done $0x0  }
0xa4: {  	s25 =	simm.s32 $0x1B8E;
	s24 =	sld [smem:$0x3FFE];
	[sflag:s23] =	ssyncadd.s32 $0xFFFFFFFF  }
0xa5: {  	s26 =	simm.s32 $execute0_lowered;
	[smem:$0x3FD2] =	sst s25  }
0xa6: {  	s5 =	sshll.u32 s26, $0x1;
	_ =	strace $0x80000046;
	[dreg:$0x1] =	wrdreg $0xFFFFFFFF  }
0xa7: {  	s28 =	simm.s32 $_size_execute0_lowered;
	s3 =	sadd.s32 s3, s5;
	[dreg:$0x0] =	wrdreg $0x0  }
0xa8: {  	s5 =	sshll.u32 s28, $0x1;
	[dreg:$0x2] =	wrdreg s3  }
0xa9: {  	[dreg:$0x3] =	wrdreg s5  }
0xaa: {  	[dreg:$0x4] =	wrdreg $0xC0  }
0xab: {  	_ =	task [dreg:s7], $0x5FFFF  }
0xac: {  	[dreg:$0x1] =	wrdreg $0xFFFFFFFF  }
0xad: {  	[dreg:$0x0] =	wrdreg $0x60  }
0xae: {  	[dreg:$0x2] =	wrdreg s2  }
0xaf: {  	[dreg:$0x3] =	wrdreg s24  }
0xb0: {  	[dreg:$0x4] =	wrdreg $0x9  }
0xb1: {  	_ =	task.clear_ibuf [dreg:s7], $0x5FFFF;
	_ =	strace $0x90000046  }
0xb2: {  	s29 =	simm.s32 $0x9;
	_ =	strace $0x80000048  }
0xb3: {  	_ =	swait.ge [sflag:s29], $0x1  }
0xb4: {  	[sflag:s29] =	ssyncadd.s32 $0xFFFFFFFF  }
0xb5: {  	_ =	strace $0x90000048  }
0xb6: {  	_ =	sfence  }
0xb7: {  	s30 =	sld [smem:$0x0];
	_ =	sdelay $0x2  }
0xb8: {  	s31 =	sshll.u32 s1, $0xD;
	s1 =	sshrl.u32 s1, $0x2  }
0xb9: {  	s3 =	sand.u32 $0x4000, s31;
	s1 =	sadd.s32 s1, s30  }
0xba: {  	s0 =	sor.u32 s3, s0;
	s1 =	sshll.u32 s1, $0x11  }
0xbb: {  	s0 =	sor.u32 s1, s0  }
0xbc: {  	s0 =	sadd.s32 $0x8F2B, s0  }
0xbd: {  	[sflag:s0] =	ssyncadd.remote.s32 $0x1  }
0xbe: {  	_ =	sfence.sel $0xFFFF  }
0xbf: {  	[dreg:$0x0] =	wrdreg $0xFFFFFFFF;
	(pc) =	sbr.abs _section_cstart, $3  }
0xc0: {  	[dreg:$0x1] =	wrdreg $0xFFFFFFFF  }
0xc1: {  	_ =	task.clear_ibuf [dreg:s7], $0x2FFFF;
	_ =	strace $0x9FFFFFFF  }
0xc2: {  	(tm) =	ssettm $0x7FFFFFFF  }
0xc3: {  	_ =	shalt  }
tec
execute0_lowered:
.L_overlay_start_1:
0x0: {  	(tag) =	ssettag $0x1  }
0x1: {  	s1 =	srdreg.scid;
	s4 =	rddreg [dreg:$0x0]  }
0x2: {  	s0 =	stileid.u32;
	s5 =	rddreg [dreg:$0x1];
	s2 =	simm.s32 $0x0  }
0x3: {  	s15 =	simm.s32 $0x2;
	s16 =	simm.s32 $0x480;
	s17 =	simm.s32 $0x500  }
0x4: {  	s18 =	simm.s32 $0x700;
	s19 =	simm.s32 $0x580;
	s20 =	simm.s32 $0x4700  }
0x5: {  	s21 =	simm.s32 $0x1;
	s22 =	simm.s32 $0x600;
	s23 =	simm.s32 $0x680  }
0x6: {  	s24 =	simm.s32 $0x0;
	s10 =	sand.u32 $0x1, s1;
	s1 =	rddreg [dreg:$0x2]  }
0x7: {  	s28 =	sshll.u32 s0, $0x1;
	s7 =	sshrl.u32 s0, $0x2;
	[smem:$0x7FF] =	sst s2  }
0x8: {  	s13 =	sshll.u32 s0, $0xB;
	s6 =	sor.u32 s10, s28;
	s29 =	sshll.u32 s7, $0xA  }
0x9: {  	_ =	strace $0x80000047;
	s7 =	sshll.u32 s7, $0xD;
	s11 =	ssub.s32 $0x2, s10  }
0xa: {  	s14 =	sshll.u32 s10, $0xA;
	s3 =	sshll.u32 s6, $0x7;
	s6 =	sshll.u32 s6, $0xD  }
0xb: {  	s30 =	sshrl.u32 s11, $0x1;
	s8 =	sand.u32 $0x380, s3;
	s12 =	sadd.s32 s6, s5  }
0xc: {  	s11 =	ssub.s32 s11, s30;
	s3 =	sor.u32 s29, s8;
	s7 =	sor.u32 s7, s8  }
0xd: {  	s8 =	sadd.s32 $0x82000, s12;
	s10 =	sadd.s32 $0x83000, s12;
	s11 =	smax.u32 s11, $0x1  }
0xe: {  	s3 =	sshrl.u32 s3, $0x3;
	s31 =	sshrl.u32 s7, $0x3;
	s7 =	sadd.s32 $0x81800, s12  }
0xf: {  	s9 =	sadd.s32 s3, s5;
	s3 =	sadd.s32 $0x1400, s5;
	s4 =	sadd.s32 s4, s31  }
0x10: {  	s5 =	sadd.s32 $0x81400, s9;
	s6 =	sadd.s32 $0x81600, s9;
	s9 =	sadd.s32 $0x82800, s12  }
0x11: {  	v0 =	vimm.s32 $0x0;
	v1 =	vlaneseq.u32;
	s12 =	sor.u32 s14, s13;
	s13 =	simm.s32 $0x80;
	s14 =	simm.s32 $0x400  }
.LBB2_1:
0x12: {  	[tilespmem:s2], [sflag:$0x2] =	stream.strided.gather [hbm4b:s4+s13], $0x400, s14, s13, $0x38;
	[tilespmem:$0x8700] =	vst v63  }
0x13: {  	_ =	swait.ge [sflag:s15], $0x400  }
0x14: {  	[sflag:s15] =	ssyncset.done $0x0  }
0x15: {  	[sflag:s15] =	ssyncadd.s32 $0xFFFFFC00  }
0x16: {  	[tilespmem:s14], [sflag:$0x2] =	stream.linear.gather [hbm4b:s5+s2], $0x80, $0x38;
	[tilespmem:$0x8700] =	vst v63  }
0x17: {  	_ =	swait.ge [sflag:s15], $0x80  }
0x18: {  	[sflag:s15] =	ssyncset.done $0x0  }
0x19: {  	[sflag:s15] =	ssyncadd.s32 $0xFFFFFF80  }
0x1a: {  	[tilespmem:s16], [sflag:$0x2] =	stream.linear.gather [hbm4b:s6+s2], $0x80, $0x38;
	[tilespmem:$0x8700] =	vst v63  }
0x1b: {  	_ =	swait.ge [sflag:s15], $0x80  }
0x1c: {  	[sflag:s15] =	ssyncset.done $0x0  }
0x1d: {  	[sflag:s15] =	ssyncadd.s32 $0xFFFFFF80  }
0x1e: {  	s25 =	simm.s32 $0x0;
	v2 =	vld [tilespmem:$0x400]  }
0x1f: {  	v4 =	vld [tilespmem:s25+$0x0];
	_ =	sdelay $0x4  }
0x20: {  	vm0 =	veq.s32 v4, v2  }
0x21: {  	v3 =	vsel vm0, $0x1, v0  }
0x22: {  	(xrf0) =	vadd.scan.msk.s32 $0xffff, v3;
	_ =	sdelay $0x5  }
0x23: {  	v3 =	vld [tilespmem:$0x480];
	v6, _, _ =	vpop (xrf0)  }
0x24: {  	(v2sf) =	vpush v6, $0xF  }
0x25: {  	v5 =	vsel vm0, $0xFFFFFFFF, v0  }
0x26: {  	v5 =	vadd.s32 s2, v5  }
0x27: {  	v5 =	vadd.s32 v6, v5  }
0x28: {  	vm1 =	vlt.s32 v5, v3  }
0x29: {  	vm2 =	vgt.s32 v4, v2;
	vm0 =	vmand vm0, vm1  }
0x2a: {  	vm0 =	vmor vm2, vm0  }
0x2b: {  	v4 =	vsel vm0, $0x1, v0  }
0x2c: {  	(xrf0) =	vadd.scan.msk.s32 $0xffff, v4;
	_ =	sdelay $0x2  }
0x2d: {  	v4 =	vmov s2  }
0x2e: {  	v4 =	vadd.s32 $0xFFFFFFFF, v4  }
0x2f: {  	v4 =	vbroadcast v4, $0x0  }
0x30: {  	v5, _, _ =	vpop (xrf0)  }
0x31: {  	v4 =	vadd.s32 v4, v5;
	s31 =	spop (v2sf);
	(v2sf) =	vpush v5, $0xF;
	_ =	sdelay $0x3  }
0x32: {  	v63 =	vor.u32 s12, v1;
	s30 =	simm.s32 $0x10;
	s29 =	simm.s32 $0x80  }
0x33: {  	s26 =	simm.s32 $0x0;
	s25 =	smov.u32 s12;
	s28 =	sadd.s32 $0x0, s31;
	[tilespmem:v4+s17+$0x0] =	vst.idx.msk vm0, v63  }
.LBB2_2:
0x34: {  	p0 =	sne.s32 s29, $0xFC0;
	v4 =	vld [tilespmem:s30+$0x0];
	_ =	sdelay $0x4  }
0x35: {  	vm0 =	vgt.s32 v4, v2;
	vm1 =	veq.s32 v4, v2  }
0x36: {  	v4 =	vsel vm1, $0xFFFFFFFF, v0;
	v5 =	vsel vm1, $0x1, v0  }
0x37: {  	(xrf0) =	vadd.scan.msk.s32 $0xffff, v5;
	_ =	sdelay $0x1  }
0x38: {  	s30 =	spop (v2sf)  }
0x39: {  	s26 =	sadd.s32 s26, s30  }
0x3a: {  	v5 =	vmov s26  }
0x3b: {  	v5 =	vadd.s32 $0xFFFFFFFF, v5  }
0x3c: {  	v4 =	vadd.s32 s28, v4;
	v5 =	vbroadcast v5, $0x0;
	v6, _, _ =	vpop (xrf0)  }
0x3d: {  	v4 =	vadd.s32 v6, v4;
	(v2sf) =	vpush v6, $0xF  }
0x3e: {  	vm2 =	vlt.s32 v4, v3  }
0x3f: {  	vm1 =	vmand vm1, vm2  }
0x40: {  	vm0 =	vmor vm0, vm1  }
0x41: {  	v4 =	vsel vm0, $0x1, v0  }
0x42: {  	(xrf0) =	vadd.scan.msk.s32 $0xffff, v4;
	_ =	sdelay $0x5  }
0x43: {  	v4, _, _ =	vpop (xrf0)  }
0x44: {  	v5 =	vadd.s32 v5, v4;
	(v2sf) =	vpush v4, $0xF  }
.Ltmp0:
0x45: {  	(pc) =	sbr.rel @p0 .LBB2_2-.Ltmp0, $4  }
0x46: {  	_ = 	snop  }
0x47: {  	s25 =	sadd.s32 $0x10, s25;
	s30 =	spop (v2sf)  }
0x48: {  	v4 =	vor.u32 s25, v1;
	s28 =	sadd.s32 s28, s30  }
0x49: {  	s30 =	sshra.s32 s29, $0x2;
	s29 =	sadd.s32 $0x40, s29;
	[tilespmem:v5+s17+$0x0] =	vst.idx.msk vm0, v4  }
0x4a: {  	v4 =	vld [tilespmem:s30+$0x0];
	_ =	sdelay $0x4  }
0x4b: {  	vm0 =	veq.s32 v4, v2  }
0x4c: {  	v5 =	vsel vm0, $0x1, v0  }
0x4d: {  	(xrf0) =	vadd.scan.msk.s32 $0xffff, v5;
	_ =	sdelay $0x4  }
0x4e: {  	v63 =	vsel vm0, $0xFFFFFFFF, v0  }
0x4f: {  	v5 =	vadd.s32 s28, v63;
	v6, _, _ =	vpop (xrf0)  }
0x50: {  	v5 =	vadd.s32 v6, v5  }
0x51: {  	vm1 =	vlt.s32 v5, v3  }
0x52: {  	vm2 =	vgt.s32 v4, v2;
	vm0 =	vmand vm0, vm1  }
0x53: {  	vm0 =	vmor vm2, vm0  }
0x54: {  	v2 =	vsel vm0, $0x1, v0  }
0x55: {  	(xrf0) =	vadd.scan.msk.s32 $0xffff, v2;
	_ =	sdelay $0x4  }
0x56: {  	(v2sf) =	vpush v6, $0xF  }
0x57: {  	v2, _, _ =	vpop (xrf0)  }
0x58: {  	s29 =	spop (v2sf);
	(v2sf) =	vpush v2, $0xF  }
0x59: {  	s26 =	sadd.s32 s26, s29  }
0x5a: {  	v3 =	vmov s26  }
0x5b: {  	v3 =	vadd.s32 $0xFFFFFFFF, v3  }
0x5c: {  	v3 =	vbroadcast v3, $0x0;
	_ =	sdelay $0x1  }
0x5d: {  	v2 =	vadd.s32 v3, v2;
	_ =	sdelay $0x2  }
0x5e: {  	s25 =	sadd.s32 $0x10, s25  }
0x5f: {  	v3 =	vor.u32 s25, v1  }
0x60: {  	[tilespmem:v2+s17+$0x0] =	vst.idx.msk vm0, v3  }
0x61: {  	[tilespmem:s18], [sflag:$0x1] =	stream.indirect.gather [hbm4b:s3+s13], $0x80, s17, s13, $0xb8;
	[tilespmem:$0x8700] =	vst v63  }
0x62: {  	s30 =	spop (v2sf)  }
0x63: {  	[tilespmem:s20], [sflag:$0x1] =	stream.indirect.gather [hbm4b:s3+s13], $0x80, s19, s13, $0xb8;
	[tilespmem:$0x8700] =	vst v63  }
0x64: {  	s31 =	spop (v2sf)  }
0x65: {  	_ =	swait.ge [sflag:s21], $0x4000  }
0x66: {  	[sflag:s21] =	ssyncset.done $0x0  }
0x67: {  	[sflag:s21] =	ssyncadd.s32 $0xFFFFC000  }
0x68: {  	[hbm4b:s7+s2] =	stream.linear.scatter [tilespmem:s18], [sflag:$0x2], $0x4000, $0x38;
	[tilespmem:$0x8700] =	vst v63  }
0x69: {  	_ =	swait.ge [sflag:s15], $0x4000  }
0x6a: {  	[sflag:s15] =	ssyncset.done $0x0  }
0x6b: {  	[sflag:s15] =	ssyncadd.s32 $0xFFFFC000  }
0x6c: {  	[tilespmem:s18], [sflag:$0x1] =	stream.indirect.gather [hbm4b:s3+s13], $0x80, s22, s13, $0xb8;
	[tilespmem:$0x8700] =	vst v63  }
0x6d: {  	_ =	swait.ge [sflag:s21], $0x4000  }
0x6e: {  	[sflag:s21] =	ssyncset.done $0x0  }
0x6f: {  	[sflag:s21] =	ssyncadd.s32 $0xFFFFC000  }
0x70: {  	[hbm4b:s8+s2] =	stream.linear.scatter [tilespmem:s20], [sflag:$0x2], $0x4000, $0x38;
	[tilespmem:$0x8700] =	vst v63  }
0x71: {  	_ =	swait.ge [sflag:s15], $0x4000  }
0x72: {  	[sflag:s15] =	ssyncset.done $0x0  }
0x73: {  	[sflag:s15] =	ssyncadd.s32 $0xFFFFC000  }
0x74: {  	[tilespmem:s20], [sflag:$0x1] =	stream.indirect.gather [hbm4b:s3+s13], $0x80, s23, s13, $0xb8;
	[tilespmem:$0x8700] =	vst v63  }
0x75: {  	_ =	swait.ge [sflag:s21], $0x4000  }
0x76: {  	[sflag:s21] =	ssyncset.done $0x0  }
0x77: {  	[sflag:s21] =	ssyncadd.s32 $0xFFFFC000  }
0x78: {  	[hbm4b:s9+s2] =	stream.linear.scatter [tilespmem:s18], [sflag:$0x2], $0x4000, $0x38;
	[tilespmem:$0x8700] =	vst v63  }
0x79: {  	_ =	swait.ge [sflag:s15], $0x4000  }
0x7a: {  	[sflag:s15] =	ssyncset.done $0x0  }
0x7b: {  	[sflag:s15] =	ssyncadd.s32 $0xFFFFC000  }
0x7c: {  	s24 =	sadd.s32 $0x1, s24;
	_ =	swait.ge [sflag:s21], $0x4000  }
0x7d: {  	p0 =	sne.s32 s24, s11;
	[sflag:s21] =	ssyncset.done $0x0  }
.Ltmp1:
0x7e: {  	[sflag:s21] =	ssyncadd.s32 $0xFFFFC000;
	(pc) =	sbr.rel @p0 .LBB2_1-.Ltmp1, $4  }
0x7f: {  	[hbm4b:s10+s2] =	stream.linear.scatter [tilespmem:s20], [sflag:$0x2], $0x4000, $0x38;
	[tilespmem:$0x8700] =	vst v63  }
0x80: {  	_ =	swait.ge [sflag:s15], $0x4000  }
0x81: {  	[sflag:s15] =	ssyncset.done $0x0  }
0x82: {  	[sflag:s15] =	ssyncadd.s32 $0xFFFFC000  }
0x83: {  	_ =	sfence.sel $0x180000  }
0x84: {  	[bflag:$0x0] =	sbarrier.arrive $0xFFFF  }
0x85: {  	p0 =	sne.s32 s0, $0x0;
	_ =	strace $0x90000047  }
0x86: {  	s0 =	sadd.s32 @!p0 $0x100000, s1;
	[bflag:$0x2] =	sbarrier.arrive $0xFFFF  }
0x87: {  	[sflag:s0] =	ssyncadd.tile.s32 @!p0 $0x1;
	_ =	shalt  }
.Lfunc_end2:
_tile_overlayer_lowered:
.L_overlay_start_2:
0x88: {  	(tag) =	ssettag $0x2  }
0x89: {  	s0 =	rddreg [dreg:$0x0];
	s2 =	stileid.u32  }
0x8a: {  	s1 =	rddreg [dreg:$0x1];
	p0 =	sne.s32 s2, $0x0  }
0x8b: {  	s3 =	rddreg [dreg:$0x2];
	[bflag:$0x3] =	sbarrier.arrive $0xFFFF;
	s2 =	simm.s32 @!p0 $0x1C02  }
0x8c: {  	[timem:s3], [sflag:s2] =	dma.local @!p0 [hbm:s0], s1  }
0x8d: {  	s0 =	simm.s32 @!p0 $0x2  }
0x8e: {  	_ =	swait.ge @!p0 [sflag:s0], s1  }
0x8f: {  	s1 =	ssub.s32 @!p0 $0x0, s1;
	[sflag:s0] =	ssyncset.done @!p0 $0x0  }
0x90: {  	[sflag:s0] =	ssyncadd.s32 @!p0 s1  }
0x91: {  	[bflag:$0x3] =	sbarrier.arrive $0xFFFF  }
0x92: {  	_ =	shalt  }

</sc_bundles>
